<compile_context>
chip_gen: v7x
topology: tpu7x:2x2x1
jax: 0.10.2.dev20260603
libtpu: 0.0.44.dev20260713+nightly
codegen_flags: <defaults>
</compile_context>

<pallas_src>
import functools

import jax
import jax.numpy as jnp
from jax import lax
from jax.experimental import pallas as pl
from jax.experimental.pallas import tpu as pltpu
from jax.experimental.pallas import tpu_sc as plsc

_info = plsc.get_sparse_core_info()
_NC, _NS, _L = _info.num_cores, _info.num_subcores, _info.num_lanes
_NW = _NC * _NS
_H = 512
_NPIX = _H * _H
_CHUNK = _NPIX // _NW
_NHIST = 9
_BINS = 256
_HROW = _NHIST * _BINS
_HTOT = _HROW * _L


def _sc_hist_body(dst_hbm, tar_hbm, ms_hbm, mt_hbm, out_hbm,
                  vd, vt, ms, mt, hist, sem):
    wid = lax.axis_index("s") * _NC + lax.axis_index("c")

    cps = []
    for c in range(3):
        cps.append(pltpu.async_copy(
            dst_hbm.at[c, wid], vd.at[pl.ds(c * _CHUNK, _CHUNK)], sem))
        cps.append(pltpu.async_copy(
            tar_hbm.at[c, wid], vt.at[pl.ds(c * _CHUNK, _CHUNK)], sem))
    cps.append(pltpu.async_copy(ms_hbm.at[wid], ms, sem))
    cps.append(pltpu.async_copy(mt_hbm.at[wid], mt, sem))

    zeros = jnp.zeros((_L,), jnp.float32)
    _ZU = 16

    def zbody(i, carry):
        base = i * (_L * _ZU)
        for k in range(_ZU):
            hist[pl.ds(base + k * _L, _L)] = zeros
        return carry

    lax.fori_loop(0, _HTOT // (_L * _ZU), zbody, 0)

    for cp in cps:
        cp.wait()

    lane = lax.iota(jnp.int32, _L) * _HROW
    based = [lane + (3 * c) * _BINS for c in range(3)]
    baser = [lane + (3 * c + 2) * _BINS for c in range(3)]

    _BU = 2

    def body(i, carry):
        for u in range(_BU):
            s = (i * _BU + u) * _L
            msk = ms[pl.ds(s, _L)]
            mtk = mt[pl.ds(s, _L)]
            for c in range(3):
                x = vd[pl.ds(c * _CHUNK + s, _L)]
                v = jnp.clip((x + 1.0) * 0.5, 0.0, 1.0) * 255.0
                b = based[c] + v.astype(jnp.int32)
                plsc.addupdate_scatter(hist, [b], msk)
                plsc.addupdate_scatter(hist, [b + _BINS], msk * v)
                y = vt[pl.ds(c * _CHUNK + s, _L)]
                w = jnp.clip((y + 1.0) * 0.5, 0.0, 1.0) * 255.0
                r = baser[c] + w.astype(jnp.int32)
                plsc.addupdate_scatter(hist, [r], mtk)
        return carry

    lax.fori_loop(0, _CHUNK // (_L * _BU), body, 0)

    pltpu.sync_copy(hist, out_hbm.at[wid])


_sc_hist = functools.partial(
    pl.kernel,
    mesh=plsc.VectorSubcoreMesh(core_axis_name="c", subcore_axis_name="s"),
    out_type=jax.ShapeDtypeStruct((_NW, _HTOT), jnp.float32),
    scratch_types=[
        pltpu.VMEM((3 * _CHUNK,), jnp.float32),
        pltpu.VMEM((3 * _CHUNK,), jnp.float32),
        pltpu.VMEM((_CHUNK,), jnp.float32),
        pltpu.VMEM((_CHUNK,), jnp.float32),
        pltpu.VMEM((_HTOT,), jnp.float32),
        pltpu.SemaphoreType.DMA,
    ],
    compiler_params=pltpu.CompilerParams(needs_layout_passes=False),
)(_sc_hist_body)


def _finish_body(hist_ref, out_ref):
    f32 = jnp.float32
    hp0 = lax.Precision.HIGHEST
    hm = jnp.sum(hist_ref[...], axis=0)
    pcol = lax.broadcasted_iota(jnp.int32, (_NHIST, _L * _NHIST), 1)
    pcol = pcol - (pcol // _NHIST) * _NHIST
    prow = lax.broadcasted_iota(jnp.int32, (_NHIST, _L * _NHIST), 0)
    psel = (pcol == prow).astype(f32)
    h = lax.dot_general(psel, hm, (((1,), (0,)), ((), ())),
                        preferred_element_type=f32,
                        precision=hp0)
    tot = jnp.sum(h, axis=1, keepdims=True)
    hn = h / jnp.maximum(tot, 1.0)
    row = lax.broadcasted_iota(jnp.int32, (_BINS, _BINS), 0)
    col = lax.broadcasted_iota(jnp.int32, (_BINS, _BINS), 1)
    tri = (row <= col).astype(f32)
    eye = (row == col).astype(f32)
    hp = lax.Precision.HIGHEST
    cdf = lax.dot_general(hn, tri, (((1,), (0,)), ((), ())),
                          preferred_element_type=f32, precision=hp)
    cdfT = lax.dot_general(eye, cdf, (((1,), (1,)), ((), ())),
                           preferred_element_type=f32, precision=hp)
    hT = lax.dot_general(eye, h, (((1,), (1,)), ((), ())),
                         preferred_element_type=f32, precision=hp)
    iota_col_i = lax.broadcasted_iota(jnp.int32, (_BINS, 1), 0)
    iota_col = iota_col_i.astype(f32)
    total = jnp.zeros((1, 1), f32)
    for c in range(3):
        dcd_col = cdfT[:, 3 * c:3 * c + 1]
        acd_row = cdf[3 * c + 2:3 * c + 3, :]
        acd0 = cdfT[0:1, 3 * c + 2:3 * c + 3]
        acd255 = cdfT[255:256, 3 * c + 2:3 * c + 3]
        lt = (acd_row < dcd_col).astype(f32)
        ksum = (jnp.sum(lt, axis=1, keepdims=True)
                - (acd0 < dcd_col).astype(f32))
        anyc = (dcd_col >= acd0) & (dcd_col <= acd255)
        t = jnp.where(anyc, 1.0 + ksum, iota_col)
        t = jnp.where(iota_col_i == 255, 255.0, t)
        cnt_col = hT[:, 3 * c:3 * c + 1]
        sv_col = hT[:, 3 * c + 1:3 * c + 2]
        total = total + jnp.sum(jnp.abs(sv_col - cnt_col * t),
                                keepdims=True).reshape(1, 1)
    out_ref[...] = total * (1.0 / (3.0 * _NPIX))


def kernel(input_data, target_data, mask_src, mask_tar):
    dst = input_data.reshape(3, _NW, _CHUNK)
    tar = target_data.reshape(3, _NW, _CHUNK)
    ms = mask_src.reshape(_NW, _CHUNK)
    mt = mask_tar.reshape(_NW, _CHUNK)
    hists = _sc_hist(dst, tar, ms, mt)
    out = pl.pallas_call(
        _finish_body,
        out_shape=jax.ShapeDtypeStruct((1, 1), jnp.float32),
    )(hists.reshape(_NW, _L * _NHIST, _BINS))
    return out[0, 0]

# --- scband reference (transcript-rebuilt; emitter-appended) ---
"""Pipeline reference for scband-histogram-loss-84215718740254 (READ-ONLY COPY).

The authoritative reference and input builder live on the scoring server;
editing this copy changes nothing except your own understanding.
"""

import jax, jax.numpy as jnp
import numpy as np

# HistogramLoss from BeautyGAN-style makeup transfer. histogram_matching is the
# standard implementation: per-channel cumulative histograms (256 bins over [0,256])
# of the masked pixels, a transfer table mapping dst cdf -> ref cdf, applied to the
# masked pixels of the (denormed*255) input image. The matched image is detached.

def de_norm(x):
    return jnp.clip((x + 1.0) / 2.0, 0.0, 1.0)

def cal_hist_cdf(vals, weights):
    hist, _ = jnp.histogram(vals, bins=256, range=(0.0, 256.0), weights=weights)
    hist = hist.astype(jnp.float32)
    hist = hist / jnp.maximum(hist.sum(), 1.0)
    return jnp.cumsum(hist)

def cal_trans(ref_cdf, adj_cdf):
    # table[i] = first j in [1,255] with adj[j-1] <= ref[i] <= adj[j], else i; table[255]=255
    cond = (ref_cdf[:, None] >= adj_cdf[None, :-1]) & (ref_cdf[:, None] <= adj_cdf[None, 1:])
    j = jnp.argmax(cond, axis=1) + 1
    table = jnp.where(cond.any(axis=1), j, jnp.arange(256))
    table = table.at[255].set(255)
    return table.astype(jnp.float32)

def histogram_matching(dst, ref, mA, mB):
    wA = mA.ravel()
    wB = mB.ravel()
    chans = []
    for i in range(3):
        dvals = dst[i].ravel()
        rvals = ref[i].ravel()
        cdf_dst = cal_hist_cdf(dvals, wA)
        cdf_ref = cal_hist_cdf(rvals, wB)
        table = cal_trans(cdf_dst, cdf_ref)
        new_vals = table[jnp.clip(dst[i].astype(jnp.int32), 0, 255)]
        chans.append(jnp.where(mA > 0, new_vals, dst[i]))
    return jnp.stack(chans, axis=0)

def setup_inputs(seed: int = 0) -> dict:
    key = jax.random.key(seed)
    k1, k2, k3, k4 = jax.random.split(key, 4)
    H = 512
    input_data = jax.random.normal(k1, (1, 3, H, H), dtype=jnp.float32)
    target_data = jax.random.normal(k2, (1, 3, H, H), dtype=jnp.float32)
    mask_src = jax.random.randint(k3, (1, H, H), 0, 2).astype(jnp.float32)
    mask_tar = jax.random.randint(k4, (1, H, H), 0, 2).astype(jnp.float32)
    return {"input_data": input_data, "target_data": target_data,
            "mask_src": mask_src, "mask_tar": mask_tar}

def reference(input_data, target_data, mask_src, mask_tar):
    H = mask_src.shape[1]
    inp = jnp.squeeze(de_norm(input_data) * 255.0)   # [3,H,W]
    tar = jnp.squeeze(de_norm(target_data) * 255.0)  # [3,H,W]
    msrc = jnp.broadcast_to(mask_src, (3, H, H))
    mtar = jnp.broadcast_to(mask_tar, (3, H, H))
    input_masked = inp * msrc
    target_masked = tar * mtar
    match = jax.lax.stop_gradient(
        histogram_matching(input_masked, target_masked, mask_src[0], mask_tar[0]))
    loss = jnp.mean(jnp.abs(input_masked - match))
    return loss

if __name__ == "__main__":
    import jax
    _d = setup_inputs()
    print(jax.jit(kernel)(*tuple(_d.values())))

</pallas_src>

<mosaic_0001>
#map = affine_map<(d0, d1) -> (0, 0, 0)>
#map1 = affine_map<(d0, d1) -> (0, 0)>
module attributes {stable_mosaic.version = 14 : i64} {
  func.func @_sc_hist_body(%arg0: i32, %arg1: i32, %arg2: memref<3x32x8192xf32, #tpu.memory_space<hbm>>, %arg3: memref<3x32x8192xf32, #tpu.memory_space<hbm>>, %arg4: memref<32x8192xf32, #tpu.memory_space<hbm>>, %arg5: memref<32x8192xf32, #tpu.memory_space<hbm>>, %arg6: memref<32x36864xf32, #tpu.memory_space<hbm>>, %arg7: memref<24576xf32, #tpu.memory_space<vmem>>, %arg8: memref<24576xf32, #tpu.memory_space<vmem>>, %arg9: memref<8192xf32, #tpu.memory_space<vmem>>, %arg10: memref<8192xf32, #tpu.memory_space<vmem>>, %arg11: memref<36864xf32, #tpu.memory_space<vmem>>, %arg12: memref<!tpu.dma_semaphore, #tpu.memory_space<semaphore_mem>>) attributes {dimension_semantics = [#tpu.dimension_semantics<core_parallel>, #tpu.dimension_semantics<subcore_parallel>], iteration_bounds = array<i64: 2, 16>, scalar_prefetch = 0 : i64, scratch_operands = 6 : i64, tpu.core_type = #tpu.core_type<sc_vector_subcore>, window_params = [{transform_indices = #map}, {transform_indices = #map}, {transform_indices = #map1}, {transform_indices = #map1}, {transform_indices = #map1}]} {
    %mul3A = arith.constant 2 : i32
    %mul3A_0 = arith.muli %arg1, %mul3A : i32
    %add3A = arith.addi %mul3A_0, %arg0 : i32
    %dma_start3A = arith.constant 0 : i32
    %dma_start3A_1 = arith.constant 0 : i32
    %dma_start3A_2 = tpu.memref_slice %arg7[%dma_start3A_1] : memref<24576xf32, #tpu.memory_space<vmem>> -> memref<8192xf32, #tpu.memory_space<vmem>>
    %dma_start3A_3 = arith.constant 0 : i32
    %dma_start3A_4 = tpu.memref_slice %arg2[%dma_start3A, %add3A, %dma_start3A_3] : memref<3x32x8192xf32, #tpu.memory_space<hbm>> -> memref<1x1x8192xf32, #tpu.memory_space<hbm>>
    %dma_start3A_5 = tpu.memref_squeeze %dma_start3A_4 : memref<1x1x8192xf32, #tpu.memory_space<hbm>> -> memref<8192xf32, #tpu.memory_space<hbm>>
    %dma_start3A_6 = arith.constant 0 : i32
    %dma_start3A_7 = tpu.memref_slice %arg7[%dma_start3A_6] : memref<24576xf32, #tpu.memory_space<vmem>> -> memref<8192xf32, #tpu.memory_space<vmem>>
    %dma_start3A_8 = arith.constant 0 : i32
    %dma_start3A_9 = tpu.memref_slice %arg2[%dma_start3A, %add3A, %dma_start3A_8] : memref<3x32x8192xf32, #tpu.memory_space<hbm>> -> memref<1x1x8192xf32, #tpu.memory_space<hbm>>
    %dma_start3A_10 = tpu.memref_squeeze %dma_start3A_9 : memref<1x1x8192xf32, #tpu.memory_space<hbm>> -> memref<8192xf32, #tpu.memory_space<hbm>>
    tpu.enqueue_dma source(%dma_start3A_10 : memref<8192xf32, #tpu.memory_space<hbm>>) target(%dma_start3A_7 : memref<8192xf32, #tpu.memory_space<vmem>>) target_semaphore(%arg12 : memref<!tpu.dma_semaphore, #tpu.memory_space<semaphore_mem>>)
    %dma_start3A_11 = arith.constant 0 : i32
    %dma_start3A_12 = arith.constant 0 : i32
    %dma_start3A_13 = tpu.memref_slice %arg8[%dma_start3A_12] : memref<24576xf32, #tpu.memory_space<vmem>> -> memref<8192xf32, #tpu.memory_space<vmem>>
    %dma_start3A_14 = arith.constant 0 : i32
    %dma_start3A_15 = tpu.memref_slice %arg3[%dma_start3A_11, %add3A, %dma_start3A_14] : memref<3x32x8192xf32, #tpu.memory_space<hbm>> -> memref<1x1x8192xf32, #tpu.memory_space<hbm>>
    %dma_start3A_16 = tpu.memref_squeeze %dma_start3A_15 : memref<1x1x8192xf32, #tpu.memory_space<hbm>> -> memref<8192xf32, #tpu.memory_space<hbm>>
    %dma_start3A_17 = arith.constant 0 : i32
    %dma_start3A_18 = tpu.memref_slice %arg8[%dma_start3A_17] : memref<24576xf32, #tpu.memory_space<vmem>> -> memref<8192xf32, #tpu.memory_space<vmem>>
    %dma_start3A_19 = arith.constant 0 : i32
    %dma_start3A_20 = tpu.memref_slice %arg3[%dma_start3A_11, %add3A, %dma_start3A_19] : memref<3x32x8192xf32, #tpu.memory_space<hbm>> -> memref<1x1x8192xf32, #tpu.memory_space<hbm>>
    %dma_start3A_21 = tpu.memref_squeeze %dma_start3A_20 : memref<1x1x8192xf32, #tpu.memory_space<hbm>> -> memref<8192xf32, #tpu.memory_space<hbm>>
    tpu.enqueue_dma source(%dma_start3A_21 : memref<8192xf32, #tpu.memory_space<hbm>>) target(%dma_start3A_18 : memref<8192xf32, #tpu.memory_space<vmem>>) target_semaphore(%arg12 : memref<!tpu.dma_semaphore, #tpu.memory_space<semaphore_mem>>)
    %dma_start3A_22 = arith.constant 1 : i32
    %dma_start3A_23 = arith.constant 8192 : i32
    %dma_start3A_24 = tpu.memref_slice %arg7[%dma_start3A_23] : memref<24576xf32, #tpu.memory_space<vmem>> -> memref<8192xf32, #tpu.memory_space<vmem>>
    %dma_start3A_25 = arith.constant 0 : i32
    %dma_start3A_26 = tpu.memref_slice %arg2[%dma_start3A_22, %add3A, %dma_start3A_25] : memref<3x32x8192xf32, #tpu.memory_space<hbm>> -> memref<1x1x8192xf32, #tpu.memory_space<hbm>>
    %dma_start3A_27 = tpu.memref_squeeze %dma_start3A_26 : memref<1x1x8192xf32, #tpu.memory_space<hbm>> -> memref<8192xf32, #tpu.memory_space<hbm>>
    %dma_start3A_28 = arith.constant 8192 : i32
    %dma_start3A_29 = tpu.memref_slice %arg7[%dma_start3A_28] : memref<24576xf32, #tpu.memory_space<vmem>> -> memref<8192xf32, #tpu.memory_space<vmem>>
    %dma_start3A_30 = arith.constant 0 : i32
    %dma_start3A_31 = tpu.memref_slice %arg2[%dma_start3A_22, %add3A, %dma_start3A_30] : memref<3x32x8192xf32, #tpu.memory_space<hbm>> -> memref<1x1x8192xf32, #tpu.memory_space<hbm>>
    %dma_start3A_32 = tpu.memref_squeeze %dma_start3A_31 : memref<1x1x8192xf32, #tpu.memory_space<hbm>> -> memref<8192xf32, #tpu.memory_space<hbm>>
    tpu.enqueue_dma source(%dma_start3A_32 : memref<8192xf32, #tpu.memory_space<hbm>>) target(%dma_start3A_29 : memref<8192xf32, #tpu.memory_space<vmem>>) target_semaphore(%arg12 : memref<!tpu.dma_semaphore, #tpu.memory_space<semaphore_mem>>)
    %dma_start3A_33 = arith.constant 1 : i32
    %dma_start3A_34 = arith.constant 8192 : i32
    %dma_start3A_35 = tpu.memref_slice %arg8[%dma_start3A_34] : memref<24576xf32, #tpu.memory_space<vmem>> -> memref<8192xf32, #tpu.memory_space<vmem>>
    %dma_start3A_36 = arith.constant 0 : i32
    %dma_start3A_37 = tpu.memref_slice %arg3[%dma_start3A_33, %add3A, %dma_start3A_36] : memref<3x32x8192xf32, #tpu.memory_space<hbm>> -> memref<1x1x8192xf32, #tpu.memory_space<hbm>>
    %dma_start3A_38 = tpu.memref_squeeze %dma_start3A_37 : memref<1x1x8192xf32, #tpu.memory_space<hbm>> -> memref<8192xf32, #tpu.memory_space<hbm>>
    %dma_start3A_39 = arith.constant 8192 : i32
    %dma_start3A_40 = tpu.memref_slice %arg8[%dma_start3A_39] : memref<24576xf32, #tpu.memory_space<vmem>> -> memref<8192xf32, #tpu.memory_space<vmem>>
    %dma_start3A_41 = arith.constant 0 : i32
    %dma_start3A_42 = tpu.memref_slice %arg3[%dma_start3A_33, %add3A, %dma_start3A_41] : memref<3x32x8192xf32, #tpu.memory_space<hbm>> -> memref<1x1x8192xf32, #tpu.memory_space<hbm>>
    %dma_start3A_43 = tpu.memref_squeeze %dma_start3A_42 : memref<1x1x8192xf32, #tpu.memory_space<hbm>> -> memref<8192xf32, #tpu.memory_space<hbm>>
    tpu.enqueue_dma source(%dma_start3A_43 : memref<8192xf32, #tpu.memory_space<hbm>>) target(%dma_start3A_40 : memref<8192xf32, #tpu.memory_space<vmem>>) target_semaphore(%arg12 : memref<!tpu.dma_semaphore, #tpu.memory_space<semaphore_mem>>)
    %dma_start3A_44 = arith.constant 2 : i32
    %dma_start3A_45 = arith.constant 16384 : i32
    %dma_start3A_46 = tpu.memref_slice %arg7[%dma_start3A_45] : memref<24576xf32, #tpu.memory_space<vmem>> -> memref<8192xf32, #tpu.memory_space<vmem>>
    %dma_start3A_47 = arith.constant 0 : i32
    %dma_start3A_48 = tpu.memref_slice %arg2[%dma_start3A_44, %add3A, %dma_start3A_47] : memref<3x32x8192xf32, #tpu.memory_space<hbm>> -> memref<1x1x8192xf32, #tpu.memory_space<hbm>>
    %dma_start3A_49 = tpu.memref_squeeze %dma_start3A_48 : memref<1x1x8192xf32, #tpu.memory_space<hbm>> -> memref<8192xf32, #tpu.memory_space<hbm>>
    %dma_start3A_50 = arith.constant 16384 : i32
    %dma_start3A_51 = tpu.memref_slice %arg7[%dma_start3A_50] : memref<24576xf32, #tpu.memory_space<vmem>> -> memref<8192xf32, #tpu.memory_space<vmem>>
    %dma_start3A_52 = arith.constant 0 : i32
    %dma_start3A_53 = tpu.memref_slice %arg2[%dma_start3A_44, %add3A, %dma_start3A_52] : memref<3x32x8192xf32, #tpu.memory_space<hbm>> -> memref<1x1x8192xf32, #tpu.memory_space<hbm>>
    %dma_start3A_54 = tpu.memref_squeeze %dma_start3A_53 : memref<1x1x8192xf32, #tpu.memory_space<hbm>> -> memref<8192xf32, #tpu.memory_space<hbm>>
    tpu.enqueue_dma source(%dma_start3A_54 : memref<8192xf32, #tpu.memory_space<hbm>>) target(%dma_start3A_51 : memref<8192xf32, #tpu.memory_space<vmem>>) target_semaphore(%arg12 : memref<!tpu.dma_semaphore, #tpu.memory_space<semaphore_mem>>)
    %dma_start3A_55 = arith.constant 2 : i32
    %dma_start3A_56 = arith.constant 16384 : i32
    %dma_start3A_57 = tpu.memref_slice %arg8[%dma_start3A_56] : memref<24576xf32, #tpu.memory_space<vmem>> -> memref<8192xf32, #tpu.memory_space<vmem>>
    %dma_start3A_58 = arith.constant 0 : i32
    %dma_start3A_59 = tpu.memref_slice %arg3[%dma_start3A_55, %add3A, %dma_start3A_58] : memref<3x32x8192xf32, #tpu.memory_space<hbm>> -> memref<1x1x8192xf32, #tpu.memory_space<hbm>>
    %dma_start3A_60 = tpu.memref_squeeze %dma_start3A_59 : memref<1x1x8192xf32, #tpu.memory_space<hbm>> -> memref<8192xf32, #tpu.memory_space<hbm>>
    %dma_start3A_61 = arith.constant 16384 : i32
    %dma_start3A_62 = tpu.memref_slice %arg8[%dma_start3A_61] : memref<24576xf32, #tpu.memory_space<vmem>> -> memref<8192xf32, #tpu.memory_space<vmem>>
    %dma_start3A_63 = arith.constant 0 : i32
    %dma_start3A_64 = tpu.memref_slice %arg3[%dma_start3A_55, %add3A, %dma_start3A_63] : memref<3x32x8192xf32, #tpu.memory_space<hbm>> -> memref<1x1x8192xf32, #tpu.memory_space<hbm>>
    %dma_start3A_65 = tpu.memref_squeeze %dma_start3A_64 : memref<1x1x8192xf32, #tpu.memory_space<hbm>> -> memref<8192xf32, #tpu.memory_space<hbm>>
    tpu.enqueue_dma source(%dma_start3A_65 : memref<8192xf32, #tpu.memory_space<hbm>>) target(%dma_start3A_62 : memref<8192xf32, #tpu.memory_space<vmem>>) target_semaphore(%arg12 : memref<!tpu.dma_semaphore, #tpu.memory_space<semaphore_mem>>)
    %dma_start3A_66 = arith.constant 0 : i32
    %dma_start3A_67 = tpu.memref_slice %arg4[%add3A, %dma_start3A_66] : memref<32x8192xf32, #tpu.memory_space<hbm>> -> memref<1x8192xf32, #tpu.memory_space<hbm>>
    %dma_start3A_68 = tpu.memref_squeeze %dma_start3A_67 : memref<1x8192xf32, #tpu.memory_space<hbm>> -> memref<8192xf32, #tpu.memory_space<hbm>>
    %dma_start3A_69 = arith.constant 0 : i32
    %dma_start3A_70 = tpu.memref_slice %arg4[%add3A, %dma_start3A_69] : memref<32x8192xf32, #tpu.memory_space<hbm>> -> memref<1x8192xf32, #tpu.memory_space<hbm>>
    %dma_start3A_71 = tpu.memref_squeeze %dma_start3A_70 : memref<1x8192xf32, #tpu.memory_space<hbm>> -> memref<8192xf32, #tpu.memory_space<hbm>>
    tpu.enqueue_dma source(%dma_start3A_71 : memref<8192xf32, #tpu.memory_space<hbm>>) target(%arg9 : memref<8192xf32, #tpu.memory_space<vmem>>) target_semaphore(%arg12 : memref<!tpu.dma_semaphore, #tpu.memory_space<semaphore_mem>>)
    %dma_start3A_72 = arith.constant 0 : i32
    %dma_start3A_73 = tpu.memref_slice %arg5[%add3A, %dma_start3A_72] : memref<32x8192xf32, #tpu.memory_space<hbm>> -> memref<1x8192xf32, #tpu.memory_space<hbm>>
    %dma_start3A_74 = tpu.memref_squeeze %dma_start3A_73 : memref<1x8192xf32, #tpu.memory_space<hbm>> -> memref<8192xf32, #tpu.memory_space<hbm>>
    %dma_start3A_75 = arith.constant 0 : i32
    %dma_start3A_76 = tpu.memref_slice %arg5[%add3A, %dma_start3A_75] : memref<32x8192xf32, #tpu.memory_space<hbm>> -> memref<1x8192xf32, #tpu.memory_space<hbm>>
    %dma_start3A_77 = tpu.memref_squeeze %dma_start3A_76 : memref<1x8192xf32, #tpu.memory_space<hbm>> -> memref<8192xf32, #tpu.memory_space<hbm>>
    tpu.enqueue_dma source(%dma_start3A_77 : memref<8192xf32, #tpu.memory_space<hbm>>) target(%arg10 : memref<8192xf32, #tpu.memory_space<vmem>>) target_semaphore(%arg12 : memref<!tpu.dma_semaphore, #tpu.memory_space<semaphore_mem>>)
    %broadcast_in_dim3A = arith.constant 0.000000e+00 : f32
    %broadcast_in_dim3A_78 = vector.broadcast %broadcast_in_dim3A : f32 to vector<16xf32>
    %scan3A = arith.constant 0 : i32
    %scan3A_79 = arith.constant 0 : i32
    %scan3A_80 = arith.constant 144 : i32
    %scan3A_81 = arith.addi %scan3A_79, %scan3A_80 : i32
    %scan3A_82 = arith.constant 1 : i32
    scf.for %scan3A_188 = %scan3A_79 to %scan3A_81 step %scan3A_82  : i32 {
      %mul3A_189 = arith.constant 256 : i32
      %mul3A_190 = arith.muli %scan3A_188, %mul3A_189 : i32
      %add3A_191 = arith.constant 0 : i32
      %add3A_192 = arith.addi %mul3A_190, %add3A_191 : i32
      %swap3A = arith.index_cast %add3A_192 : i32 to index
      %swap3A_193 = tpu.vector_load %arg11[%swap3A] {strides = array<i32>} : memref<36864xf32, #tpu.memory_space<vmem>>, vector<16xf32>,
      tpu.vector_store %arg11[%swap3A], %broadcast_in_dim3A_78 {strides = array<i32>} : memref<36864xf32, #tpu.memory_space<vmem>>, vector<16xf32>,
      %add3A_194 = arith.constant 16 : i32
      %add3A_195 = arith.addi %mul3A_190, %add3A_194 : i32
      %swap3A_196 = arith.index_cast %add3A_195 : i32 to index
      %swap3A_197 = tpu.vector_load %arg11[%swap3A_196] {strides = array<i32>} : memref<36864xf32, #tpu.memory_space<vmem>>, vector<16xf32>,
      tpu.vector_store %arg11[%swap3A_196], %broadcast_in_dim3A_78 {strides = array<i32>} : memref<36864xf32, #tpu.memory_space<vmem>>, vector<16xf32>,
      %add3A_198 = arith.constant 32 : i32
      %add3A_199 = arith.addi %mul3A_190, %add3A_198 : i32
      %swap3A_200 = arith.index_cast %add3A_199 : i32 to index
      %swap3A_201 = tpu.vector_load %arg11[%swap3A_200] {strides = array<i32>} : memref<36864xf32, #tpu.memory_space<vmem>>, vector<16xf32>,
      tpu.vector_store %arg11[%swap3A_200], %broadcast_in_dim3A_78 {strides = array<i32>} : memref<36864xf32, #tpu.memory_space<vmem>>, vector<16xf32>,
      %add3A_202 = arith.constant 48 : i32
      %add3A_203 = arith.addi %mul3A_190, %add3A_202 : i32
      %swap3A_204 = arith.index_cast %add3A_203 : i32 to index
      %swap3A_205 = tpu.vector_load %arg11[%swap3A_204] {strides = array<i32>} : memref<36864xf32, #tpu.memory_space<vmem>>, vector<16xf32>,
      tpu.vector_store %arg11[%swap3A_204], %broadcast_in_dim3A_78 {strides = array<i32>} : memref<36864xf32, #tpu.memory_space<vmem>>, vector<16xf32>,
      %add3A_206 = arith.constant 64 : i32
      %add3A_207 = arith.addi %mul3A_190, %add3A_206 : i32
      %swap3A_208 = arith.index_cast %add3A_207 : i32 to index
      %swap3A_209 = tpu.vector_load %arg11[%swap3A_208] {strides = array<i32>} : memref<36864xf32, #tpu.memory_space<vmem>>, vector<16xf32>,
      tpu.vector_store %arg11[%swap3A_208], %broadcast_in_dim3A_78 {strides = array<i32>} : memref<36864xf32, #tpu.memory_space<vmem>>, vector<16xf32>,
      %add3A_210 = arith.constant 80 : i32
      %add3A_211 = arith.addi %mul3A_190, %add3A_210 : i32
      %swap3A_212 = arith.index_cast %add3A_211 : i32 to index
      %swap3A_213 = tpu.vector_load %arg11[%swap3A_212] {strides = array<i32>} : memref<36864xf32, #tpu.memory_space<vmem>>, vector<16xf32>,
      tpu.vector_store %arg11[%swap3A_212], %broadcast_in_dim3A_78 {strides = array<i32>} : memref<36864xf32, #tpu.memory_space<vmem>>, vector<16xf32>,
      %add3A_214 = arith.constant 96 : i32
      %add3A_215 = arith.addi %mul3A_190, %add3A_214 : i32
      %swap3A_216 = arith.index_cast %add3A_215 : i32 to index
      %swap3A_217 = tpu.vector_load %arg11[%swap3A_216] {strides = array<i32>} : memref<36864xf32, #tpu.memory_space<vmem>>, vector<16xf32>,
      tpu.vector_store %arg11[%swap3A_216], %broadcast_in_dim3A_78 {strides = array<i32>} : memref<36864xf32, #tpu.memory_space<vmem>>, vector<16xf32>,
      %add3A_218 = arith.constant 112 : i32
      %add3A_219 = arith.addi %mul3A_190, %add3A_218 : i32
      %swap3A_220 = arith.index_cast %add3A_219 : i32 to index
      %swap3A_221 = tpu.vector_load %arg11[%swap3A_220] {strides = array<i32>} : memref<36864xf32, #tpu.memory_space<vmem>>, vector<16xf32>,
      tpu.vector_store %arg11[%swap3A_220], %broadcast_in_dim3A_78 {strides = array<i32>} : memref<36864xf32, #tpu.memory_space<vmem>>, vector<16xf32>,
      %add3A_222 = arith.constant 128 : i32
      %add3A_223 = arith.addi %mul3A_190, %add3A_222 : i32
      %swap3A_224 = arith.index_cast %add3A_223 : i32 to index
      %swap3A_225 = tpu.vector_load %arg11[%swap3A_224] {strides = array<i32>} : memref<36864xf32, #tpu.memory_space<vmem>>, vector<16xf32>,
      tpu.vector_store %arg11[%swap3A_224], %broadcast_in_dim3A_78 {strides = array<i32>} : memref<36864xf32, #tpu.memory_space<vmem>>, vector<16xf32>,
      %add3A_226 = arith.constant 144 : i32
      %add3A_227 = arith.addi %mul3A_190, %add3A_226 : i32
      %swap3A_228 = arith.index_cast %add3A_227 : i32 to index
      %swap3A_229 = tpu.vector_load %arg11[%swap3A_228] {strides = array<i32>} : memref<36864xf32, #tpu.memory_space<vmem>>, vector<16xf32>,
      tpu.vector_store %arg11[%swap3A_228], %broadcast_in_dim3A_78 {strides = array<i32>} : memref<36864xf32, #tpu.memory_space<vmem>>, vector<16xf32>,
      %add3A_230 = arith.constant 160 : i32
      %add3A_231 = arith.addi %mul3A_190, %add3A_230 : i32
      %swap3A_232 = arith.index_cast %add3A_231 : i32 to index
      %swap3A_233 = tpu.vector_load %arg11[%swap3A_232] {strides = array<i32>} : memref<36864xf32, #tpu.memory_space<vmem>>, vector<16xf32>,
      tpu.vector_store %arg11[%swap3A_232], %broadcast_in_dim3A_78 {strides = array<i32>} : memref<36864xf32, #tpu.memory_space<vmem>>, vector<16xf32>,
      %add3A_234 = arith.constant 176 : i32
      %add3A_235 = arith.addi %mul3A_190, %add3A_234 : i32
      %swap3A_236 = arith.index_cast %add3A_235 : i32 to index
      %swap3A_237 = tpu.vector_load %arg11[%swap3A_236] {strides = array<i32>} : memref<36864xf32, #tpu.memory_space<vmem>>, vector<16xf32>,
      tpu.vector_store %arg11[%swap3A_236], %broadcast_in_dim3A_78 {strides = array<i32>} : memref<36864xf32, #tpu.memory_space<vmem>>, vector<16xf32>,
      %add3A_238 = arith.constant 192 : i32
      %add3A_239 = arith.addi %mul3A_190, %add3A_238 : i32
      %swap3A_240 = arith.index_cast %add3A_239 : i32 to index
      %swap3A_241 = tpu.vector_load %arg11[%swap3A_240] {strides = array<i32>} : memref<36864xf32, #tpu.memory_space<vmem>>, vector<16xf32>,
      tpu.vector_store %arg11[%swap3A_240], %broadcast_in_dim3A_78 {strides = array<i32>} : memref<36864xf32, #tpu.memory_space<vmem>>, vector<16xf32>,
      %add3A_242 = arith.constant 208 : i32
      %add3A_243 = arith.addi %mul3A_190, %add3A_242 : i32
      %swap3A_244 = arith.index_cast %add3A_243 : i32 to index
      %swap3A_245 = tpu.vector_load %arg11[%swap3A_244] {strides = array<i32>} : memref<36864xf32, #tpu.memory_space<vmem>>, vector<16xf32>,
      tpu.vector_store %arg11[%swap3A_244], %broadcast_in_dim3A_78 {strides = array<i32>} : memref<36864xf32, #tpu.memory_space<vmem>>, vector<16xf32>,
      %add3A_246 = arith.constant 224 : i32
      %add3A_247 = arith.addi %mul3A_190, %add3A_246 : i32
      %swap3A_248 = arith.index_cast %add3A_247 : i32 to index
      %swap3A_249 = tpu.vector_load %arg11[%swap3A_248] {strides = array<i32>} : memref<36864xf32, #tpu.memory_space<vmem>>, vector<16xf32>,
      tpu.vector_store %arg11[%swap3A_248], %broadcast_in_dim3A_78 {strides = array<i32>} : memref<36864xf32, #tpu.memory_space<vmem>>, vector<16xf32>,
      %add3A_250 = arith.constant 240 : i32
      %add3A_251 = arith.addi %mul3A_190, %add3A_250 : i32
      %swap3A_252 = arith.index_cast %add3A_251 : i32 to index
      %swap3A_253 = tpu.vector_load %arg11[%swap3A_252] {strides = array<i32>} : memref<36864xf32, #tpu.memory_space<vmem>>, vector<16xf32>,
      tpu.vector_store %arg11[%swap3A_252], %broadcast_in_dim3A_78 {strides = array<i32>} : memref<36864xf32, #tpu.memory_space<vmem>>, vector<16xf32>,
    }
    %scan3A_83 = arith.constant 144 : i32
    %dma_wait3A = arith.constant 0 : i32
    %dma_wait3A_84 = arith.constant 0 : i32
    %dma_wait3A_85 = tpu.memref_slice %arg7[%dma_wait3A_84] : memref<24576xf32, #tpu.memory_space<vmem>> -> memref<8192xf32, #tpu.memory_space<vmem>>
    %dma_wait3A_86 = arith.constant 0 : i32
    %dma_wait3A_87 = tpu.memref_slice %arg2[%dma_wait3A, %add3A, %dma_wait3A_86] : memref<3x32x8192xf32, #tpu.memory_space<hbm>> -> memref<1x1x8192xf32, #tpu.memory_space<hbm>>
    %dma_wait3A_88 = tpu.memref_squeeze %dma_wait3A_87 : memref<1x1x8192xf32, #tpu.memory_space<hbm>> -> memref<8192xf32, #tpu.memory_space<hbm>>
    %dma_wait3A_89 = arith.constant 0 : i32
    %dma_wait3A_90 = tpu.memref_slice %arg7[%dma_wait3A_89] : memref<24576xf32, #tpu.memory_space<vmem>> -> memref<8192xf32, #tpu.memory_space<vmem>>
    %dma_wait3A_91 = arith.constant 0 : i32
    %dma_wait3A_92 = tpu.memref_slice %arg2[%dma_wait3A, %add3A, %dma_wait3A_91] : memref<3x32x8192xf32, #tpu.memory_space<hbm>> -> memref<1x1x8192xf32, #tpu.memory_space<hbm>>
    %dma_wait3A_93 = tpu.memref_squeeze %dma_wait3A_92 : memref<1x1x8192xf32, #tpu.memory_space<hbm>> -> memref<8192xf32, #tpu.memory_space<hbm>>
    tpu.wait_dma2 semaphore(%arg12 : memref<!tpu.dma_semaphore, #tpu.memory_space<semaphore_mem>>) src(%dma_wait3A_93 : memref<8192xf32, #tpu.memory_space<hbm>>) dst(%dma_wait3A_90 : memref<8192xf32, #tpu.memory_space<vmem>>)
    %dma_wait3A_94 = arith.constant 0 : i32
    %dma_wait3A_95 = arith.constant 0 : i32
    %dma_wait3A_96 = tpu.memref_slice %arg8[%dma_wait3A_95] : memref<24576xf32, #tpu.memory_space<vmem>> -> memref<8192xf32, #tpu.memory_space<vmem>>
    %dma_wait3A_97 = arith.constant 0 : i32
    %dma_wait3A_98 = tpu.memref_slice %arg3[%dma_wait3A_94, %add3A, %dma_wait3A_97] : memref<3x32x8192xf32, #tpu.memory_space<hbm>> -> memref<1x1x8192xf32, #tpu.memory_space<hbm>>
    %dma_wait3A_99 = tpu.memref_squeeze %dma_wait3A_98 : memref<1x1x8192xf32, #tpu.memory_space<hbm>> -> memref<8192xf32, #tpu.memory_space<hbm>>
    %dma_wait3A_100 = arith.constant 0 : i32
    %dma_wait3A_101 = tpu.memref_slice %arg8[%dma_wait3A_100] : memref<24576xf32, #tpu.memory_space<vmem>> -> memref<8192xf32, #tpu.memory_space<vmem>>
    %dma_wait3A_102 = arith.constant 0 : i32
    %dma_wait3A_103 = tpu.memref_slice %arg3[%dma_wait3A_94, %add3A, %dma_wait3A_102] : memref<3x32x8192xf32, #tpu.memory_space<hbm>> -> memref<1x1x8192xf32, #tpu.memory_space<hbm>>
    %dma_wait3A_104 = tpu.memref_squeeze %dma_wait3A_103 : memref<1x1x8192xf32, #tpu.memory_space<hbm>> -> memref<8192xf32, #tpu.memory_space<hbm>>
    tpu.wait_dma2 semaphore(%arg12 : memref<!tpu.dma_semaphore, #tpu.memory_space<semaphore_mem>>) src(%dma_wait3A_104 : memref<8192xf32, #tpu.memory_space<hbm>>) dst(%dma_wait3A_101 : memref<8192xf32, #tpu.memory_space<vmem>>)
    %dma_wait3A_105 = arith.constant 1 : i32
    %dma_wait3A_106 = arith.constant 8192 : i32
    %dma_wait3A_107 = tpu.memref_slice %arg7[%dma_wait3A_106] : memref<24576xf32, #tpu.memory_space<vmem>> -> memref<8192xf32, #tpu.memory_space<vmem>>
    %dma_wait3A_108 = arith.constant 0 : i32
    %dma_wait3A_109 = tpu.memref_slice %arg2[%dma_wait3A_105, %add3A, %dma_wait3A_108] : memref<3x32x8192xf32, #tpu.memory_space<hbm>> -> memref<1x1x8192xf32, #tpu.memory_space<hbm>>
    %dma_wait3A_110 = tpu.memref_squeeze %dma_wait3A_109 : memref<1x1x8192xf32, #tpu.memory_space<hbm>> -> memref<8192xf32, #tpu.memory_space<hbm>>
    %dma_wait3A_111 = arith.constant 8192 : i32
    %dma_wait3A_112 = tpu.memref_slice %arg7[%dma_wait3A_111] : memref<24576xf32, #tpu.memory_space<vmem>> -> memref<8192xf32, #tpu.memory_space<vmem>>
    %dma_wait3A_113 = arith.constant 0 : i32
    %dma_wait3A_114 = tpu.memref_slice %arg2[%dma_wait3A_105, %add3A, %dma_wait3A_113] : memref<3x32x8192xf32, #tpu.memory_space<hbm>> -> memref<1x1x8192xf32, #tpu.memory_space<hbm>>
    %dma_wait3A_115 = tpu.memref_squeeze %dma_wait3A_114 : memref<1x1x8192xf32, #tpu.memory_space<hbm>> -> memref<8192xf32, #tpu.memory_space<hbm>>
    tpu.wait_dma2 semaphore(%arg12 : memref<!tpu.dma_semaphore, #tpu.memory_space<semaphore_mem>>) src(%dma_wait3A_115 : memref<8192xf32, #tpu.memory_space<hbm>>) dst(%dma_wait3A_112 : memref<8192xf32, #tpu.memory_space<vmem>>)
    %dma_wait3A_116 = arith.constant 1 : i32
    %dma_wait3A_117 = arith.constant 8192 : i32
    %dma_wait3A_118 = tpu.memref_slice %arg8[%dma_wait3A_117] : memref<24576xf32, #tpu.memory_space<vmem>> -> memref<8192xf32, #tpu.memory_space<vmem>>
    %dma_wait3A_119 = arith.constant 0 : i32
    %dma_wait3A_120 = tpu.memref_slice %arg3[%dma_wait3A_116, %add3A, %dma_wait3A_119] : memref<3x32x8192xf32, #tpu.memory_space<hbm>> -> memref<1x1x8192xf32, #tpu.memory_space<hbm>>
    %dma_wait3A_121 = tpu.memref_squeeze %dma_wait3A_120 : memref<1x1x8192xf32, #tpu.memory_space<hbm>> -> memref<8192xf32, #tpu.memory_space<hbm>>
    %dma_wait3A_122 = arith.constant 8192 : i32
    %dma_wait3A_123 = tpu.memref_slice %arg8[%dma_wait3A_122] : memref<24576xf32, #tpu.memory_space<vmem>> -> memref<8192xf32, #tpu.memory_space<vmem>>
    %dma_wait3A_124 = arith.constant 0 : i32
    %dma_wait3A_125 = tpu.memref_slice %arg3[%dma_wait3A_116, %add3A, %dma_wait3A_124] : memref<3x32x8192xf32, #tpu.memory_space<hbm>> -> memref<1x1x8192xf32, #tpu.memory_space<hbm>>
    %dma_wait3A_126 = tpu.memref_squeeze %dma_wait3A_125 : memref<1x1x8192xf32, #tpu.memory_space<hbm>> -> memref<8192xf32, #tpu.memory_space<hbm>>
    tpu.wait_dma2 semaphore(%arg12 : memref<!tpu.dma_semaphore, #tpu.memory_space<semaphore_mem>>) src(%dma_wait3A_126 : memref<8192xf32, #tpu.memory_space<hbm>>) dst(%dma_wait3A_123 : memref<8192xf32, #tpu.memory_space<vmem>>)
    %dma_wait3A_127 = arith.constant 2 : i32
    %dma_wait3A_128 = arith.constant 16384 : i32
    %dma_wait3A_129 = tpu.memref_slice %arg7[%dma_wait3A_128] : memref<24576xf32, #tpu.memory_space<vmem>> -> memref<8192xf32, #tpu.memory_space<vmem>>
    %dma_wait3A_130 = arith.constant 0 : i32
    %dma_wait3A_131 = tpu.memref_slice %arg2[%dma_wait3A_127, %add3A, %dma_wait3A_130] : memref<3x32x8192xf32, #tpu.memory_space<hbm>> -> memref<1x1x8192xf32, #tpu.memory_space<hbm>>
    %dma_wait3A_132 = tpu.memref_squeeze %dma_wait3A_131 : memref<1x1x8192xf32, #tpu.memory_space<hbm>> -> memref<8192xf32, #tpu.memory_space<hbm>>
    %dma_wait3A_133 = arith.constant 16384 : i32
    %dma_wait3A_134 = tpu.memref_slice %arg7[%dma_wait3A_133] : memref<24576xf32, #tpu.memory_space<vmem>> -> memref<8192xf32, #tpu.memory_space<vmem>>
    %dma_wait3A_135 = arith.constant 0 : i32
    %dma_wait3A_136 = tpu.memref_slice %arg2[%dma_wait3A_127, %add3A, %dma_wait3A_135] : memref<3x32x8192xf32, #tpu.memory_space<hbm>> -> memref<1x1x8192xf32, #tpu.memory_space<hbm>>
    %dma_wait3A_137 = tpu.memref_squeeze %dma_wait3A_136 : memref<1x1x8192xf32, #tpu.memory_space<hbm>> -> memref<8192xf32, #tpu.memory_space<hbm>>
    tpu.wait_dma2 semaphore(%arg12 : memref<!tpu.dma_semaphore, #tpu.memory_space<semaphore_mem>>) src(%dma_wait3A_137 : memref<8192xf32, #tpu.memory_space<hbm>>) dst(%dma_wait3A_134 : memref<8192xf32, #tpu.memory_space<vmem>>)
    %dma_wait3A_138 = arith.constant 2 : i32
    %dma_wait3A_139 = arith.constant 16384 : i32
    %dma_wait3A_140 = tpu.memref_slice %arg8[%dma_wait3A_139] : memref<24576xf32, #tpu.memory_space<vmem>> -> memref<8192xf32, #tpu.memory_space<vmem>>
    %dma_wait3A_141 = arith.constant 0 : i32
    %dma_wait3A_142 = tpu.memref_slice %arg3[%dma_wait3A_138, %add3A, %dma_wait3A_141] : memref<3x32x8192xf32, #tpu.memory_space<hbm>> -> memref<1x1x8192xf32, #tpu.memory_space<hbm>>
    %dma_wait3A_143 = tpu.memref_squeeze %dma_wait3A_142 : memref<1x1x8192xf32, #tpu.memory_space<hbm>> -> memref<8192xf32, #tpu.memory_space<hbm>>
    %dma_wait3A_144 = arith.constant 16384 : i32
    %dma_wait3A_145 = tpu.memref_slice %arg8[%dma_wait3A_144] : memref<24576xf32, #tpu.memory_space<vmem>> -> memref<8192xf32, #tpu.memory_space<vmem>>
    %dma_wait3A_146 = arith.constant 0 : i32
    %dma_wait3A_147 = tpu.memref_slice %arg3[%dma_wait3A_138, %add3A, %dma_wait3A_146] : memref<3x32x8192xf32, #tpu.memory_space<hbm>> -> memref<1x1x8192xf32, #tpu.memory_space<hbm>>
    %dma_wait3A_148 = tpu.memref_squeeze %dma_wait3A_147 : memref<1x1x8192xf32, #tpu.memory_space<hbm>> -> memref<8192xf32, #tpu.memory_space<hbm>>
    tpu.wait_dma2 semaphore(%arg12 : memref<!tpu.dma_semaphore, #tpu.memory_space<semaphore_mem>>) src(%dma_wait3A_148 : memref<8192xf32, #tpu.memory_space<hbm>>) dst(%dma_wait3A_145 : memref<8192xf32, #tpu.memory_space<vmem>>)
    %dma_wait3A_149 = arith.constant 0 : i32
    %dma_wait3A_150 = tpu.memref_slice %arg4[%add3A, %dma_wait3A_149] : memref<32x8192xf32, #tpu.memory_space<hbm>> -> memref<1x8192xf32, #tpu.memory_space<hbm>>
    %dma_wait3A_151 = tpu.memref_squeeze %dma_wait3A_150 : memref<1x8192xf32, #tpu.memory_space<hbm>> -> memref<8192xf32, #tpu.memory_space<hbm>>
    %dma_wait3A_152 = arith.constant 0 : i32
    %dma_wait3A_153 = tpu.memref_slice %arg4[%add3A, %dma_wait3A_152] : memref<32x8192xf32, #tpu.memory_space<hbm>> -> memref<1x8192xf32, #tpu.memory_space<hbm>>
    %dma_wait3A_154 = tpu.memref_squeeze %dma_wait3A_153 : memref<1x8192xf32, #tpu.memory_space<hbm>> -> memref<8192xf32, #tpu.memory_space<hbm>>
    tpu.wait_dma2 semaphore(%arg12 : memref<!tpu.dma_semaphore, #tpu.memory_space<semaphore_mem>>) src(%dma_wait3A_154 : memref<8192xf32, #tpu.memory_space<hbm>>) dst(%arg9 : memref<8192xf32, #tpu.memory_space<vmem>>)
    %dma_wait3A_155 = arith.constant 0 : i32
    %dma_wait3A_156 = tpu.memref_slice %arg5[%add3A, %dma_wait3A_155] : memref<32x8192xf32, #tpu.memory_space<hbm>> -> memref<1x8192xf32, #tpu.memory_space<hbm>>
    %dma_wait3A_157 = tpu.memref_squeeze %dma_wait3A_156 : memref<1x8192xf32, #tpu.memory_space<hbm>> -> memref<8192xf32, #tpu.memory_space<hbm>>
    %dma_wait3A_158 = arith.constant 0 : i32
    %dma_wait3A_159 = tpu.memref_slice %arg5[%add3A, %dma_wait3A_158] : memref<32x8192xf32, #tpu.memory_space<hbm>> -> memref<1x8192xf32, #tpu.memory_space<hbm>>
    %dma_wait3A_160 = tpu.memref_squeeze %dma_wait3A_159 : memref<1x8192xf32, #tpu.memory_space<hbm>> -> memref<8192xf32, #tpu.memory_space<hbm>>
    tpu.wait_dma2 semaphore(%arg12 : memref<!tpu.dma_semaphore, #tpu.memory_space<semaphore_mem>>) src(%dma_wait3A_160 : memref<8192xf32, #tpu.memory_space<hbm>>) dst(%arg10 : memref<8192xf32, #tpu.memory_space<vmem>>)
    %iota3A = tpu.iota {dimensions = array<i32: 0>} : vector<16xi32>
    %mul3A_161 = arith.constant 2304 : i32
    %mul3A_162 = vector.broadcast %mul3A_161 : i32 to vector<16xi32>
    %mul3A_163 = arith.muli %iota3A, %mul3A_162 : vector<16xi32>
    %add3A_164 = arith.constant 0 : i32
    %add3A_165 = vector.broadcast %add3A_164 : i32 to vector<16xi32>
    %add3A_166 = arith.addi %mul3A_163, %add3A_165 : vector<16xi32>
    %add3A_167 = arith.constant 768 : i32
    %add3A_168 = vector.broadcast %add3A_167 : i32 to vector<16xi32>
    %add3A_169 = arith.addi %mul3A_163, %add3A_168 : vector<16xi32>
    %add3A_170 = arith.constant 1536 : i32
    %add3A_171 = vector.broadcast %add3A_170 : i32 to vector<16xi32>
    %add3A_172 = arith.addi %mul3A_163, %add3A_171 : vector<16xi32>
    %add3A_173 = arith.constant 512 : i32
    %add3A_174 = vector.broadcast %add3A_173 : i32 to vector<16xi32>
    %add3A_175 = arith.addi %mul3A_163, %add3A_174 : vector<16xi32>
    %add3A_176 = arith.constant 1280 : i32
    %add3A_177 = vector.broadcast %add3A_176 : i32 to vector<16xi32>
    %add3A_178 = arith.addi %mul3A_163, %add3A_177 : vector<16xi32>
    %add3A_179 = arith.constant 2048 : i32
    %add3A_180 = vector.broadcast %add3A_179 : i32 to vector<16xi32>
    %add3A_181 = arith.addi %mul3A_163, %add3A_180 : vector<16xi32>
    %scan3A_182 = arith.constant 0 : i32
    %scan3A_183 = arith.constant 0 : i32
    %scan3A_184 = arith.constant 256 : i32
    %scan3A_185 = arith.addi %scan3A_183, %scan3A_184 : i32
    %scan3A_186 = arith.constant 1 : i32
    scf.for %scan3A_188 = %scan3A_183 to %scan3A_185 step %scan3A_186  : i32 {
      %mul3A_189 = arith.constant 2 : i32
      %mul3A_190 = arith.muli %scan3A_188, %mul3A_189 : i32
      %add3A_191 = arith.constant 0 : i32
      %add3A_192 = arith.addi %mul3A_190, %add3A_191 : i32
      %mul3A_193 = arith.constant 16 : i32
      %mul3A_194 = arith.muli %add3A_192, %mul3A_193 : i32
      %get3A = arith.index_cast %mul3A_194 : i32 to index
      %get3A_195 = tpu.vector_load %arg9[%get3A] {strides = array<i32>} : memref<8192xf32, #tpu.memory_space<vmem>>, vector<16xf32>,
      %get3A_196 = arith.index_cast %mul3A_194 : i32 to index
      %get3A_197 = tpu.vector_load %arg10[%get3A_196] {strides = array<i32>} : memref<8192xf32, #tpu.memory_space<vmem>>, vector<16xf32>,
      %add3A_198 = arith.constant 0 : i32
      %add3A_199 = arith.addi %add3A_198, %mul3A_194 : i32
      %get3A_200 = arith.index_cast %add3A_199 : i32 to index
      %get3A_201 = tpu.vector_load %arg7[%get3A_200] {strides = array<i32>} : memref<24576xf32, #tpu.memory_space<vmem>>, vector<16xf32>,
      %add3A_202 = arith.constant 1.000000e+00 : f32
      %add3A_203 = vector.broadcast %add3A_202 : f32 to vector<16xf32>
      %add3A_204 = arith.addf %get3A_201, %add3A_203 : vector<16xf32>
      %mul3A_205 = arith.constant 5.000000e-01 : f32
      %mul3A_206 = vector.broadcast %mul3A_205 : f32 to vector<16xf32>
      %mul3A_207 = arith.mulf %add3A_204, %mul3A_206 : vector<16xf32>
      %jit3A = arith.constant 0.000000e+00 : f32
      %jit3A_208 = arith.constant 1.000000e+00 : f32
      %max3A = vector.broadcast %jit3A : f32 to vector<16xf32>
      %max3A_209 = arith.maximumf %max3A, %mul3A_207 : vector<16xf32>
      %min3A = vector.broadcast %jit3A_208 : f32 to vector<16xf32>
      %min3A_210 = arith.minimumf %min3A, %max3A_209 : vector<16xf32>
      %mul3A_211 = arith.constant 2.550000e+02 : f32
      %mul3A_212 = vector.broadcast %mul3A_211 : f32 to vector<16xf32>
      %mul3A_213 = arith.mulf %min3A_210, %mul3A_212 : vector<16xf32>
      %convert_element_type3A = arith.fptosi %mul3A_213 : vector<16xf32> to vector<16xi32>
      %add3A_214 = arith.addi %add3A_166, %convert_element_type3A : vector<16xi32>
      tpu.vector_store_idx %arg11[%add3A_214], %get3A_195 {add = true} : memref<36864xf32, #tpu.memory_space<vmem>>[vector<16xi32>], vector<16xf32>,
      %add3A_215 = arith.constant 256 : i32
      %add3A_216 = vector.broadcast %add3A_215 : i32 to vector<16xi32>
      %add3A_217 = arith.addi %add3A_214, %add3A_216 : vector<16xi32>
      %mul3A_218 = arith.mulf %get3A_195, %mul3A_213 : vector<16xf32>
      tpu.vector_store_idx %arg11[%add3A_217], %mul3A_218 {add = true} : memref<36864xf32, #tpu.memory_space<vmem>>[vector<16xi32>], vector<16xf32>,
      %add3A_219 = arith.constant 0 : i32
      %add3A_220 = arith.addi %add3A_219, %mul3A_194 : i32
      %get3A_221 = arith.index_cast %add3A_220 : i32 to index
      %get3A_222 = tpu.vector_load %arg8[%get3A_221] {strides = array<i32>} : memref<24576xf32, #tpu.memory_space<vmem>>, vector<16xf32>,
      %add3A_223 = arith.constant 1.000000e+00 : f32
      %add3A_224 = vector.broadcast %add3A_223 : f32 to vector<16xf32>
      %add3A_225 = arith.addf %get3A_222, %add3A_224 : vector<16xf32>
      %mul3A_226 = arith.constant 5.000000e-01 : f32
      %mul3A_227 = vector.broadcast %mul3A_226 : f32 to vector<16xf32>
      %mul3A_228 = arith.mulf %add3A_225, %mul3A_227 : vector<16xf32>
      %jit3A_229 = arith.constant 0.000000e+00 : f32
      %jit3A_230 = arith.constant 1.000000e+00 : f32
      %max3A_231 = vector.broadcast %jit3A_229 : f32 to vector<16xf32>
      %max3A_232 = arith.maximumf %max3A_231, %mul3A_228 : vector<16xf32>
      %min3A_233 = vector.broadcast %jit3A_230 : f32 to vector<16xf32>
      %min3A_234 = arith.minimumf %min3A_233, %max3A_232 : vector<16xf32>
      %mul3A_235 = arith.constant 2.550000e+02 : f32
      %mul3A_236 = vector.broadcast %mul3A_235 : f32 to vector<16xf32>
      %mul3A_237 = arith.mulf %min3A_234, %mul3A_236 : vector<16xf32>
      %convert_element_type3A_238 = arith.fptosi %mul3A_237 : vector<16xf32> to vector<16xi32>
      %add3A_239 = arith.addi %add3A_175, %convert_element_type3A_238 : vector<16xi32>
      tpu.vector_store_idx %arg11[%add3A_239], %get3A_197 {add = true} : memref<36864xf32, #tpu.memory_space<vmem>>[vector<16xi32>], vector<16xf32>,
      %add3A_240 = arith.constant 8192 : i32
      %add3A_241 = arith.addi %add3A_240, %mul3A_194 : i32
      %get3A_242 = arith.index_cast %add3A_241 : i32 to index
      %get3A_243 = tpu.vector_load %arg7[%get3A_242] {strides = array<i32>} : memref<24576xf32, #tpu.memory_space<vmem>>, vector<16xf32>,
      %add3A_244 = arith.constant 1.000000e+00 : f32
      %add3A_245 = vector.broadcast %add3A_244 : f32 to vector<16xf32>
      %add3A_246 = arith.addf %get3A_243, %add3A_245 : vector<16xf32>
      %mul3A_247 = arith.constant 5.000000e-01 : f32
      %mul3A_248 = vector.broadcast %mul3A_247 : f32 to vector<16xf32>
      %mul3A_249 = arith.mulf %add3A_246, %mul3A_248 : vector<16xf32>
      %jit3A_250 = arith.constant 0.000000e+00 : f32
      %jit3A_251 = arith.constant 1.000000e+00 : f32
      %max3A_252 = vector.broadcast %jit3A_250 : f32 to vector<16xf32>
      %max3A_253 = arith.maximumf %max3A_252, %mul3A_249 : vector<16xf32>
      %min3A_254 = vector.broadcast %jit3A_251 : f32 to vector<16xf32>
      %min3A_255 = arith.minimumf %min3A_254, %max3A_253 : vector<16xf32>
      %mul3A_256 = arith.constant 2.550000e+02 : f32
      %mul3A_257 = vector.broadcast %mul3A_256 : f32 to vector<16xf32>
      %mul3A_258 = arith.mulf %min3A_255, %mul3A_257 : vector<16xf32>
      %convert_element_type3A_259 = arith.fptosi %mul3A_258 : vector<16xf32> to vector<16xi32>
      %add3A_260 = arith.addi %add3A_169, %convert_element_type3A_259 : vector<16xi32>
      tpu.vector_store_idx %arg11[%add3A_260], %get3A_195 {add = true} : memref<36864xf32, #tpu.memory_space<vmem>>[vector<16xi32>], vector<16xf32>,
      %add3A_261 = arith.constant 256 : i32
      %add3A_262 = vector.broadcast %add3A_261 : i32 to vector<16xi32>
      %add3A_263 = arith.addi %add3A_260, %add3A_262 : vector<16xi32>
      %mul3A_264 = arith.mulf %get3A_195, %mul3A_258 : vector<16xf32>
      tpu.vector_store_idx %arg11[%add3A_263], %mul3A_264 {add = true} : memref<36864xf32, #tpu.memory_space<vmem>>[vector<16xi32>], vector<16xf32>,
      %add3A_265 = arith.constant 8192 : i32
      %add3A_266 = arith.addi %add3A_265, %mul3A_194 : i32
      %get3A_267 = arith.index_cast %add3A_266 : i32 to index
      %get3A_268 = tpu.vector_load %arg8[%get3A_267] {strides = array<i32>} : memref<24576xf32, #tpu.memory_space<vmem>>, vector<16xf32>,
      %add3A_269 = arith.constant 1.000000e+00 : f32
      %add3A_270 = vector.broadcast %add3A_269 : f32 to vector<16xf32>
      %add3A_271 = arith.addf %get3A_268, %add3A_270 : vector<16xf32>
      %mul3A_272 = arith.constant 5.000000e-01 : f32
      %mul3A_273 = vector.broadcast %mul3A_272 : f32 to vector<16xf32>
      %mul3A_274 = arith.mulf %add3A_271, %mul3A_273 : vector<16xf32>
      %jit3A_275 = arith.constant 0.000000e+00 : f32
      %jit3A_276 = arith.constant 1.000000e+00 : f32
      %max3A_277 = vector.broadcast %jit3A_275 : f32 to vector<16xf32>
      %max3A_278 = arith.maximumf %max3A_277, %mul3A_274 : vector<16xf32>
      %min3A_279 = vector.broadcast %jit3A_276 : f32 to vector<16xf32>
      %min3A_280 = arith.minimumf %min3A_279, %max3A_278 : vector<16xf32>
      %mul3A_281 = arith.constant 2.550000e+02 : f32
      %mul3A_282 = vector.broadcast %mul3A_281 : f32 to vector<16xf32>
      %mul3A_283 = arith.mulf %min3A_280, %mul3A_282 : vector<16xf32>
      %convert_element_type3A_284 = arith.fptosi %mul3A_283 : vector<16xf32> to vector<16xi32>
      %add3A_285 = arith.addi %add3A_178, %convert_element_type3A_284 : vector<16xi32>
      tpu.vector_store_idx %arg11[%add3A_285], %get3A_197 {add = true} : memref<36864xf32, #tpu.memory_space<vmem>>[vector<16xi32>], vector<16xf32>,
      %add3A_286 = arith.constant 16384 : i32
      %add3A_287 = arith.addi %add3A_286, %mul3A_194 : i32
      %get3A_288 = arith.index_cast %add3A_287 : i32 to index
      %get3A_289 = tpu.vector_load %arg7[%get3A_288] {strides = array<i32>} : memref<24576xf32, #tpu.memory_space<vmem>>, vector<16xf32>,
      %add3A_290 = arith.constant 1.000000e+00 : f32
      %add3A_291 = vector.broadcast %add3A_290 : f32 to vector<16xf32>
      %add3A_292 = arith.addf %get3A_289, %add3A_291 : vector<16xf32>
      %mul3A_293 = arith.constant 5.000000e-01 : f32
      %mul3A_294 = vector.broadcast %mul3A_293 : f32 to vector<16xf32>
      %mul3A_295 = arith.mulf %add3A_292, %mul3A_294 : vector<16xf32>
      %jit3A_296 = arith.constant 0.000000e+00 : f32
      %jit3A_297 = arith.constant 1.000000e+00 : f32
      %max3A_298 = vector.broadcast %jit3A_296 : f32 to vector<16xf32>
      %max3A_299 = arith.maximumf %max3A_298, %mul3A_295 : vector<16xf32>
      %min3A_300 = vector.broadcast %jit3A_297 : f32 to vector<16xf32>
      %min3A_301 = arith.minimumf %min3A_300, %max3A_299 : vector<16xf32>
      %mul3A_302 = arith.constant 2.550000e+02 : f32
      %mul3A_303 = vector.broadcast %mul3A_302 : f32 to vector<16xf32>
      %mul3A_304 = arith.mulf %min3A_301, %mul3A_303 : vector<16xf32>
      %convert_element_type3A_305 = arith.fptosi %mul3A_304 : vector<16xf32> to vector<16xi32>
      %add3A_306 = arith.addi %add3A_172, %convert_element_type3A_305 : vector<16xi32>
      tpu.vector_store_idx %arg11[%add3A_306], %get3A_195 {add = true} : memref<36864xf32, #tpu.memory_space<vmem>>[vector<16xi32>], vector<16xf32>,
      %add3A_307 = arith.constant 256 : i32
      %add3A_308 = vector.broadcast %add3A_307 : i32 to vector<16xi32>
      %add3A_309 = arith.addi %add3A_306, %add3A_308 : vector<16xi32>
      %mul3A_310 = arith.mulf %get3A_195, %mul3A_304 : vector<16xf32>
      tpu.vector_store_idx %arg11[%add3A_309], %mul3A_310 {add = true} : memref<36864xf32, #tpu.memory_space<vmem>>[vector<16xi32>], vector<16xf32>,
      %add3A_311 = arith.constant 16384 : i32
      %add3A_312 = arith.addi %add3A_311, %mul3A_194 : i32
      %get3A_313 = arith.index_cast %add3A_312 : i32 to index
      %get3A_314 = tpu.vector_load %arg8[%get3A_313] {strides = array<i32>} : memref<24576xf32, #tpu.memory_space<vmem>>, vector<16xf32>,
      %add3A_315 = arith.constant 1.000000e+00 : f32
      %add3A_316 = vector.broadcast %add3A_315 : f32 to vector<16xf32>
      %add3A_317 = arith.addf %get3A_314, %add3A_316 : vector<16xf32>
      %mul3A_318 = arith.constant 5.000000e-01 : f32
      %mul3A_319 = vector.broadcast %mul3A_318 : f32 to vector<16xf32>
      %mul3A_320 = arith.mulf %add3A_317, %mul3A_319 : vector<16xf32>
      %jit3A_321 = arith.constant 0.000000e+00 : f32
      %jit3A_322 = arith.constant 1.000000e+00 : f32
      %max3A_323 = vector.broadcast %jit3A_321 : f32 to vector<16xf32>
      %max3A_324 = arith.maximumf %max3A_323, %mul3A_320 : vector<16xf32>
      %min3A_325 = vector.broadcast %jit3A_322 : f32 to vector<16xf32>
      %min3A_326 = arith.minimumf %min3A_325, %max3A_324 : vector<16xf32>
      %mul3A_327 = arith.constant 2.550000e+02 : f32
      %mul3A_328 = vector.broadcast %mul3A_327 : f32 to vector<16xf32>
      %mul3A_329 = arith.mulf %min3A_326, %mul3A_328 : vector<16xf32>
      %convert_element_type3A_330 = arith.fptosi %mul3A_329 : vector<16xf32> to vector<16xi32>
      %add3A_331 = arith.addi %add3A_181, %convert_element_type3A_330 : vector<16xi32>
      tpu.vector_store_idx %arg11[%add3A_331], %get3A_197 {add = true} : memref<36864xf32, #tpu.memory_space<vmem>>[vector<16xi32>], vector<16xf32>,
      %mul3A_332 = arith.constant 2 : i32
      %mul3A_333 = arith.muli %scan3A_188, %mul3A_332 : i32
      %add3A_334 = arith.constant 1 : i32
      %add3A_335 = arith.addi %mul3A_333, %add3A_334 : i32
      %mul3A_336 = arith.constant 16 : i32
      %mul3A_337 = arith.muli %add3A_335, %mul3A_336 : i32
      %get3A_338 = arith.index_cast %mul3A_337 : i32 to index
      %get3A_339 = tpu.vector_load %arg9[%get3A_338] {strides = array<i32>} : memref<8192xf32, #tpu.memory_space<vmem>>, vector<16xf32>,
      %get3A_340 = arith.index_cast %mul3A_337 : i32 to index
      %get3A_341 = tpu.vector_load %arg10[%get3A_340] {strides = array<i32>} : memref<8192xf32, #tpu.memory_space<vmem>>, vector<16xf32>,
      %add3A_342 = arith.constant 0 : i32
      %add3A_343 = arith.addi %add3A_342, %mul3A_337 : i32
      %get3A_344 = arith.index_cast %add3A_343 : i32 to index
      %get3A_345 = tpu.vector_load %arg7[%get3A_344] {strides = array<i32>} : memref<24576xf32, #tpu.memory_space<vmem>>, vector<16xf32>,
      %add3A_346 = arith.constant 1.000000e+00 : f32
      %add3A_347 = vector.broadcast %add3A_346 : f32 to vector<16xf32>
      %add3A_348 = arith.addf %get3A_345, %add3A_347 : vector<16xf32>
      %mul3A_349 = arith.constant 5.000000e-01 : f32
      %mul3A_350 = vector.broadcast %mul3A_349 : f32 to vector<16xf32>
      %mul3A_351 = arith.mulf %add3A_348, %mul3A_350 : vector<16xf32>
      %jit3A_352 = arith.constant 0.000000e+00 : f32
      %jit3A_353 = arith.constant 1.000000e+00 : f32
      %max3A_354 = vector.broadcast %jit3A_352 : f32 to vector<16xf32>
      %max3A_355 = arith.maximumf %max3A_354, %mul3A_351 : vector<16xf32>
      %min3A_356 = vector.broadcast %jit3A_353 : f32 to vector<16xf32>
      %min3A_357 = arith.minimumf %min3A_356, %max3A_355 : vector<16xf32>
      %mul3A_358 = arith.constant 2.550000e+02 : f32
      %mul3A_359 = vector.broadcast %mul3A_358 : f32 to vector<16xf32>
      %mul3A_360 = arith.mulf %min3A_357, %mul3A_359 : vector<16xf32>
      %convert_element_type3A_361 = arith.fptosi %mul3A_360 : vector<16xf32> to vector<16xi32>
      %add3A_362 = arith.addi %add3A_166, %convert_element_type3A_361 : vector<16xi32>
      tpu.vector_store_idx %arg11[%add3A_362], %get3A_339 {add = true} : memref<36864xf32, #tpu.memory_space<vmem>>[vector<16xi32>], vector<16xf32>,
      %add3A_363 = arith.constant 256 : i32
      %add3A_364 = vector.broadcast %add3A_363 : i32 to vector<16xi32>
      %add3A_365 = arith.addi %add3A_362, %add3A_364 : vector<16xi32>
      %mul3A_366 = arith.mulf %get3A_339, %mul3A_360 : vector<16xf32>
      tpu.vector_store_idx %arg11[%add3A_365], %mul3A_366 {add = true} : memref<36864xf32, #tpu.memory_space<vmem>>[vector<16xi32>], vector<16xf32>,
      %add3A_367 = arith.constant 0 : i32
      %add3A_368 = arith.addi %add3A_367, %mul3A_337 : i32
      %get3A_369 = arith.index_cast %add3A_368 : i32 to index
      %get3A_370 = tpu.vector_load %arg8[%get3A_369] {strides = array<i32>} : memref<24576xf32, #tpu.memory_space<vmem>>, vector<16xf32>,
      %add3A_371 = arith.constant 1.000000e+00 : f32
      %add3A_372 = vector.broadcast %add3A_371 : f32 to vector<16xf32>
      %add3A_373 = arith.addf %get3A_370, %add3A_372 : vector<16xf32>
      %mul3A_374 = arith.constant 5.000000e-01 : f32
      %mul3A_375 = vector.broadcast %mul3A_374 : f32 to vector<16xf32>
      %mul3A_376 = arith.mulf %add3A_373, %mul3A_375 : vector<16xf32>
      %jit3A_377 = arith.constant 0.000000e+00 : f32
      %jit3A_378 = arith.constant 1.000000e+00 : f32
      %max3A_379 = vector.broadcast %jit3A_377 : f32 to vector<16xf32>
      %max3A_380 = arith.maximumf %max3A_379, %mul3A_376 : vector<16xf32>
      %min3A_381 = vector.broadcast %jit3A_378 : f32 to vector<16xf32>
      %min3A_382 = arith.minimumf %min3A_381, %max3A_380 : vector<16xf32>
      %mul3A_383 = arith.constant 2.550000e+02 : f32
      %mul3A_384 = vector.broadcast %mul3A_383 : f32 to vector<16xf32>
      %mul3A_385 = arith.mulf %min3A_382, %mul3A_384 : vector<16xf32>
      %convert_element_type3A_386 = arith.fptosi %mul3A_385 : vector<16xf32> to vector<16xi32>
      %add3A_387 = arith.addi %add3A_175, %convert_element_type3A_386 : vector<16xi32>
      tpu.vector_store_idx %arg11[%add3A_387], %get3A_341 {add = true} : memref<36864xf32, #tpu.memory_space<vmem>>[vector<16xi32>], vector<16xf32>,
      %add3A_388 = arith.constant 8192 : i32
      %add3A_389 = arith.addi %add3A_388, %mul3A_337 : i32
      %get3A_390 = arith.index_cast %add3A_389 : i32 to index
      %get3A_391 = tpu.vector_load %arg7[%get3A_390] {strides = array<i32>} : memref<24576xf32, #tpu.memory_space<vmem>>, vector<16xf32>,
      %add3A_392 = arith.constant 1.000000e+00 : f32
      %add3A_393 = vector.broadcast %add3A_392 : f32 to vector<16xf32>
      %add3A_394 = arith.addf %get3A_391, %add3A_393 : vector<16xf32>
      %mul3A_395 = arith.constant 5.000000e-01 : f32
      %mul3A_396 = vector.broadcast %mul3A_395 : f32 to vector<16xf32>
      %mul3A_397 = arith.mulf %add3A_394, %mul3A_396 : vector<16xf32>
      %jit3A_398 = arith.constant 0.000000e+00 : f32
      %jit3A_399 = arith.constant 1.000000e+00 : f32
      %max3A_400 = vector.broadcast %jit3A_398 : f32 to vector<16xf32>
      %max3A_401 = arith.maximumf %max3A_400, %mul3A_397 : vector<16xf32>
      %min3A_402 = vector.broadcast %jit3A_399 : f32 to vector<16xf32>
      %min3A_403 = arith.minimumf %min3A_402, %max3A_401 : vector<16xf32>
      %mul3A_404 = arith.constant 2.550000e+02 : f32
      %mul3A_405 = vector.broadcast %mul3A_404 : f32 to vector<16xf32>
      %mul3A_406 = arith.mulf %min3A_403, %mul3A_405 : vector<16xf32>
      %convert_element_type3A_407 = arith.fptosi %mul3A_406 : vector<16xf32> to vector<16xi32>
      %add3A_408 = arith.addi %add3A_169, %convert_element_type3A_407 : vector<16xi32>
      tpu.vector_store_idx %arg11[%add3A_408], %get3A_339 {add = true} : memref<36864xf32, #tpu.memory_space<vmem>>[vector<16xi32>], vector<16xf32>,
      %add3A_409 = arith.constant 256 : i32
      %add3A_410 = vector.broadcast %add3A_409 : i32 to vector<16xi32>
      %add3A_411 = arith.addi %add3A_408, %add3A_410 : vector<16xi32>
      %mul3A_412 = arith.mulf %get3A_339, %mul3A_406 : vector<16xf32>
      tpu.vector_store_idx %arg11[%add3A_411], %mul3A_412 {add = true} : memref<36864xf32, #tpu.memory_space<vmem>>[vector<16xi32>], vector<16xf32>,
      %add3A_413 = arith.constant 8192 : i32
      %add3A_414 = arith.addi %add3A_413, %mul3A_337 : i32
      %get3A_415 = arith.index_cast %add3A_414 : i32 to index
      %get3A_416 = tpu.vector_load %arg8[%get3A_415] {strides = array<i32>} : memref<24576xf32, #tpu.memory_space<vmem>>, vector<16xf32>,
      %add3A_417 = arith.constant 1.000000e+00 : f32
      %add3A_418 = vector.broadcast %add3A_417 : f32 to vector<16xf32>
      %add3A_419 = arith.addf %get3A_416, %add3A_418 : vector<16xf32>
      %mul3A_420 = arith.constant 5.000000e-01 : f32
      %mul3A_421 = vector.broadcast %mul3A_420 : f32 to vector<16xf32>
      %mul3A_422 = arith.mulf %add3A_419, %mul3A_421 : vector<16xf32>
      %jit3A_423 = arith.constant 0.000000e+00 : f32
      %jit3A_424 = arith.constant 1.000000e+00 : f32
      %max3A_425 = vector.broadcast %jit3A_423 : f32 to vector<16xf32>
      %max3A_426 = arith.maximumf %max3A_425, %mul3A_422 : vector<16xf32>
      %min3A_427 = vector.broadcast %jit3A_424 : f32 to vector<16xf32>
      %min3A_428 = arith.minimumf %min3A_427, %max3A_426 : vector<16xf32>
      %mul3A_429 = arith.constant 2.550000e+02 : f32
      %mul3A_430 = vector.broadcast %mul3A_429 : f32 to vector<16xf32>
      %mul3A_431 = arith.mulf %min3A_428, %mul3A_430 : vector<16xf32>
      %convert_element_type3A_432 = arith.fptosi %mul3A_431 : vector<16xf32> to vector<16xi32>
      %add3A_433 = arith.addi %add3A_178, %convert_element_type3A_432 : vector<16xi32>
      tpu.vector_store_idx %arg11[%add3A_433], %get3A_341 {add = true} : memref<36864xf32, #tpu.memory_space<vmem>>[vector<16xi32>], vector<16xf32>,
      %add3A_434 = arith.constant 16384 : i32
      %add3A_435 = arith.addi %add3A_434, %mul3A_337 : i32
      %get3A_436 = arith.index_cast %add3A_435 : i32 to index
      %get3A_437 = tpu.vector_load %arg7[%get3A_436] {strides = array<i32>} : memref<24576xf32, #tpu.memory_space<vmem>>, vector<16xf32>,
      %add3A_438 = arith.constant 1.000000e+00 : f32
      %add3A_439 = vector.broadcast %add3A_438 : f32 to vector<16xf32>
      %add3A_440 = arith.addf %get3A_437, %add3A_439 : vector<16xf32>
      %mul3A_441 = arith.constant 5.000000e-01 : f32
      %mul3A_442 = vector.broadcast %mul3A_441 : f32 to vector<16xf32>
      %mul3A_443 = arith.mulf %add3A_440, %mul3A_442 : vector<16xf32>
      %jit3A_444 = arith.constant 0.000000e+00 : f32
      %jit3A_445 = arith.constant 1.000000e+00 : f32
      %max3A_446 = vector.broadcast %jit3A_444 : f32 to vector<16xf32>
      %max3A_447 = arith.maximumf %max3A_446, %mul3A_443 : vector<16xf32>
      %min3A_448 = vector.broadcast %jit3A_445 : f32 to vector<16xf32>
      %min3A_449 = arith.minimumf %min3A_448, %max3A_447 : vector<16xf32>
      %mul3A_450 = arith.constant 2.550000e+02 : f32
      %mul3A_451 = vector.broadcast %mul3A_450 : f32 to vector<16xf32>
      %mul3A_452 = arith.mulf %min3A_449, %mul3A_451 : vector<16xf32>
      %convert_element_type3A_453 = arith.fptosi %mul3A_452 : vector<16xf32> to vector<16xi32>
      %add3A_454 = arith.addi %add3A_172, %convert_element_type3A_453 : vector<16xi32>
      tpu.vector_store_idx %arg11[%add3A_454], %get3A_339 {add = true} : memref<36864xf32, #tpu.memory_space<vmem>>[vector<16xi32>], vector<16xf32>,
      %add3A_455 = arith.constant 256 : i32
      %add3A_456 = vector.broadcast %add3A_455 : i32 to vector<16xi32>
      %add3A_457 = arith.addi %add3A_454, %add3A_456 : vector<16xi32>
      %mul3A_458 = arith.mulf %get3A_339, %mul3A_452 : vector<16xf32>
      tpu.vector_store_idx %arg11[%add3A_457], %mul3A_458 {add = true} : memref<36864xf32, #tpu.memory_space<vmem>>[vector<16xi32>], vector<16xf32>,
      %add3A_459 = arith.constant 16384 : i32
      %add3A_460 = arith.addi %add3A_459, %mul3A_337 : i32
      %get3A_461 = arith.index_cast %add3A_460 : i32 to index
      %get3A_462 = tpu.vector_load %arg8[%get3A_461] {strides = array<i32>} : memref<24576xf32, #tpu.memory_space<vmem>>, vector<16xf32>,
      %add3A_463 = arith.constant 1.000000e+00 : f32
      %add3A_464 = vector.broadcast %add3A_463 : f32 to vector<16xf32>
      %add3A_465 = arith.addf %get3A_462, %add3A_464 : vector<16xf32>
      %mul3A_466 = arith.constant 5.000000e-01 : f32
      %mul3A_467 = vector.broadcast %mul3A_466 : f32 to vector<16xf32>
      %mul3A_468 = arith.mulf %add3A_465, %mul3A_467 : vector<16xf32>
      %jit3A_469 = arith.constant 0.000000e+00 : f32
      %jit3A_470 = arith.constant 1.000000e+00 : f32
      %max3A_471 = vector.broadcast %jit3A_469 : f32 to vector<16xf32>
      %max3A_472 = arith.maximumf %max3A_471, %mul3A_468 : vector<16xf32>
      %min3A_473 = vector.broadcast %jit3A_470 : f32 to vector<16xf32>
      %min3A_474 = arith.minimumf %min3A_473, %max3A_472 : vector<16xf32>
      %mul3A_475 = arith.constant 2.550000e+02 : f32
      %mul3A_476 = vector.broadcast %mul3A_475 : f32 to vector<16xf32>
      %mul3A_477 = arith.mulf %min3A_474, %mul3A_476 : vector<16xf32>
      %convert_element_type3A_478 = arith.fptosi %mul3A_477 : vector<16xf32> to vector<16xi32>
      %add3A_479 = arith.addi %add3A_181, %convert_element_type3A_478 : vector<16xi32>
      tpu.vector_store_idx %arg11[%add3A_479], %get3A_341 {add = true} : memref<36864xf32, #tpu.memory_space<vmem>>[vector<16xi32>], vector<16xf32>,
    }
    %scan3A_187 = arith.constant 256 : i32
    "tpu.region"() ({
      %run_scoped3A = tpu.sem_alloc : memref<!tpu.dma_semaphore, #tpu.memory_space<semaphore_mem>>
      %dma_start3A_188 = arith.constant 0 : i32
      %dma_start3A_189 = tpu.memref_slice %arg6[%add3A, %dma_start3A_188] : memref<32x36864xf32, #tpu.memory_space<hbm>> -> memref<1x36864xf32, #tpu.memory_space<hbm>>
      %dma_start3A_190 = tpu.memref_squeeze %dma_start3A_189 : memref<1x36864xf32, #tpu.memory_space<hbm>> -> memref<36864xf32, #tpu.memory_space<hbm>>
      %dma_start3A_191 = arith.constant 0 : i32
      %dma_start3A_192 = tpu.memref_slice %arg6[%add3A, %dma_start3A_191] : memref<32x36864xf32, #tpu.memory_space<hbm>> -> memref<1x36864xf32, #tpu.memory_space<hbm>>
      %dma_start3A_193 = tpu.memref_squeeze %dma_start3A_192 : memref<1x36864xf32, #tpu.memory_space<hbm>> -> memref<36864xf32, #tpu.memory_space<hbm>>
      tpu.enqueue_dma source(%arg11 : memref<36864xf32, #tpu.memory_space<vmem>>) target(%dma_start3A_193 : memref<36864xf32, #tpu.memory_space<hbm>>) target_semaphore(%run_scoped3A : memref<!tpu.dma_semaphore, #tpu.memory_space<semaphore_mem>>)
      %dma_wait3A_194 = arith.constant 0 : i32
      %dma_wait3A_195 = tpu.memref_slice %arg6[%add3A, %dma_wait3A_194] : memref<32x36864xf32, #tpu.memory_space<hbm>> -> memref<1x36864xf32, #tpu.memory_space<hbm>>
      %dma_wait3A_196 = tpu.memref_squeeze %dma_wait3A_195 : memref<1x36864xf32, #tpu.memory_space<hbm>> -> memref<36864xf32, #tpu.memory_space<hbm>>
      %dma_wait3A_197 = arith.constant 0 : i32
      %dma_wait3A_198 = tpu.memref_slice %arg6[%add3A, %dma_wait3A_197] : memref<32x36864xf32, #tpu.memory_space<hbm>> -> memref<1x36864xf32, #tpu.memory_space<hbm>>
      %dma_wait3A_199 = tpu.memref_squeeze %dma_wait3A_198 : memref<1x36864xf32, #tpu.memory_space<hbm>> -> memref<36864xf32, #tpu.memory_space<hbm>>
      tpu.wait_dma2 semaphore(%run_scoped3A : memref<!tpu.dma_semaphore, #tpu.memory_space<semaphore_mem>>) src(%arg11 : memref<36864xf32, #tpu.memory_space<vmem>>) dst(%dma_wait3A_199 : memref<36864xf32, #tpu.memory_space<hbm>>)
      tpu.yield
    }) : () -> ()
    return
  }
}

module attributes {stable_mosaic.version = 14 : i64} {
  func.func @_finish_body(%arg0: memref<32x144x256xf32, #tpu.memory_space<vmem>>, %arg1: memref<1x1xf32, #tpu.memory_space<vmem>>) attributes {dimension_semantics = [], scalar_prefetch = 0 : i64, scratch_operands = 0 : i64, tpu.core_type = #tpu.core_type<tc>} {
    %get3A = arith.constant 0 : index
    %get3A_0 = arith.constant 0 : index
    %get3A_1 = arith.constant 0 : index
    %get3A_2 = vector.load %arg0[%get3A, %get3A_0, %get3A_1] : memref<32x144x256xf32, #tpu.memory_space<vmem>>, vector<32x144x256xf32>
    %reduce_sum3A = arith.constant dense<0.000000e+00> : vector<144x256xf32>
    %reduce_sum3A_3 = vector.multi_reduction <add>, %get3A_2, %reduce_sum3A [0] : vector<32x144x256xf32> to vector<144x256xf32>
    %iota3A = tpu.iota {dimensions = array<i32: 1>} : vector<9x144xi32>
    %jit3A = arith.constant 9 : i32
    %div3A = vector.broadcast %jit3A : i32 to vector<9x144xi32>
    %div3A_4 = arith.divsi %iota3A, %div3A : vector<9x144xi32>
    %sign3A = arith.constant 0 : i32
    %sign3A_5 = vector.broadcast %sign3A : i32 to vector<9x144xi32>
    %sign3A_6 = arith.cmpi sgt, %iota3A, %sign3A_5 : vector<9x144xi32>
    %sign3A_7 = arith.extui %sign3A_6 : vector<9x144xi1> to vector<9x144xi32>
    %sign3A_8 = arith.constant 0 : i32
    %sign3A_9 = vector.broadcast %sign3A_8 : i32 to vector<9x144xi32>
    %sign3A_10 = arith.cmpi slt, %iota3A, %sign3A_9 : vector<9x144xi32>
    %sign3A_11 = arith.extui %sign3A_10 : vector<9x144xi1> to vector<9x144xi32>
    %sign3A_12 = arith.subi %sign3A_7, %sign3A_11 : vector<9x144xi32>
    %sign3A_13 = arith.constant 0 : i32
    %sign3A_14 = arith.cmpi sgt, %jit3A, %sign3A_13 : i32
    %sign3A_15 = arith.extui %sign3A_14 : i1 to i32
    %sign3A_16 = arith.constant 0 : i32
    %sign3A_17 = arith.cmpi slt, %jit3A, %sign3A_16 : i32
    %sign3A_18 = arith.extui %sign3A_17 : i1 to i32
    %sign3A_19 = arith.subi %sign3A_15, %sign3A_18 : i32
    %ne3A = vector.broadcast %sign3A_19 : i32 to vector<9x144xi32>
    %ne3A_20 = arith.cmpi ne, %sign3A_12, %ne3A : vector<9x144xi32>
    %rem3A = vector.broadcast %jit3A : i32 to vector<9x144xi32>
    %rem3A_21 = arith.remsi %iota3A, %rem3A : vector<9x144xi32>
    %ne3A_22 = arith.constant 0 : i32
    %ne3A_23 = vector.broadcast %ne3A_22 : i32 to vector<9x144xi32>
    %ne3A_24 = arith.cmpi ne, %rem3A_21, %ne3A_23 : vector<9x144xi32>
    %and3A = arith.andi %ne3A_20, %ne3A_24 : vector<9x144xi1>
    %sub3A = arith.constant 1 : i32
    %sub3A_25 = vector.broadcast %sub3A : i32 to vector<9x144xi32>
    %sub3A_26 = arith.subi %div3A_4, %sub3A_25 : vector<9x144xi32>
    %select_n3A = arith.select %and3A, %sub3A_26, %div3A_4 : vector<9x144xi1>, vector<9x144xi32>
    %mul3A = arith.constant 9 : i32
    %mul3A_27 = vector.broadcast %mul3A : i32 to vector<9x144xi32>
    %mul3A_28 = arith.muli %select_n3A, %mul3A_27 : vector<9x144xi32>
    %sub3A_29 = arith.subi %iota3A, %mul3A_28 : vector<9x144xi32>
    %iota3A_30 = tpu.iota {dimensions = array<i32: 0>} : vector<9x144xi32>
    %eq3A = arith.cmpi eq, %sub3A_29, %iota3A_30 : vector<9x144xi32>
    %convert_element_type3A = arith.extui %eq3A : vector<9x144xi1> to vector<9x144xi32>
    %convert_element_type3A_31 = arith.sitofp %convert_element_type3A : vector<9x144xi32> to vector<9x144xf32>
    %dot_general3A = arith.constant dense<0.000000e+00> : vector<9x256xf32>
    %dot_general3A_32 = tpu.matmul %convert_element_type3A_31, %reduce_sum3A_3, %dot_general3A {dimension_numbers = #tpu.dot_dimension_numbers<[1], [0], [0], [1], [0, 0, 1, 1], [], []>, precision = #tpu.contract_precision<fp32>, transpose_lhs_hint = false} : vector<9x144xf32>, vector<144x256xf32>, vector<9x256xf32> -> vector<9x256xf32>
    %reduce_sum3A_33 = arith.constant dense<0.000000e+00> : vector<9xf32>
    %reduce_sum3A_34 = vector.multi_reduction <add>, %dot_general3A_32, %reduce_sum3A_33 [1] : vector<9x256xf32> to vector<9xf32>
    %broadcast_in_dim3A = vector.shape_cast %reduce_sum3A_34 : vector<9xf32> to vector<9x1xf32>
    %max3A = arith.constant 1.000000e+00 : f32
    %max3A_35 = vector.broadcast %max3A : f32 to vector<9x1xf32>
    %max3A_36 = arith.maximumf %broadcast_in_dim3A, %max3A_35 : vector<9x1xf32>
    %div3A_37 = vector.broadcast %max3A_36 : vector<9x1xf32> to vector<9x256xf32>
    %div3A_38 = arith.divf %dot_general3A_32, %div3A_37 : vector<9x256xf32>
    %iota3A_39 = tpu.iota {dimensions = array<i32: 0>} : vector<256x256xi32>
    %iota3A_40 = tpu.iota {dimensions = array<i32: 1>} : vector<256x256xi32>
    %le3A = arith.cmpi sle, %iota3A_39, %iota3A_40 : vector<256x256xi32>
    %convert_element_type3A_41 = arith.extui %le3A : vector<256x256xi1> to vector<256x256xi32>
    %convert_element_type3A_42 = arith.sitofp %convert_element_type3A_41 : vector<256x256xi32> to vector<256x256xf32>
    %eq3A_43 = arith.cmpi eq, %iota3A_39, %iota3A_40 : vector<256x256xi32>
    %convert_element_type3A_44 = arith.extui %eq3A_43 : vector<256x256xi1> to vector<256x256xi32>
    %convert_element_type3A_45 = arith.sitofp %convert_element_type3A_44 : vector<256x256xi32> to vector<256x256xf32>
    %dot_general3A_46 = arith.constant dense<0.000000e+00> : vector<9x256xf32>
    %dot_general3A_47 = tpu.matmul %div3A_38, %convert_element_type3A_42, %dot_general3A_46 {dimension_numbers = #tpu.dot_dimension_numbers<[1], [0], [0], [1], [0, 0, 1, 1], [], []>, precision = #tpu.contract_precision<fp32>, transpose_lhs_hint = false} : vector<9x256xf32>, vector<256x256xf32>, vector<9x256xf32> -> vector<9x256xf32>
    %dot_general3A_48 = arith.constant dense<0.000000e+00> : vector<256x9xf32>
    %dot_general3A_49 = tpu.matmul %convert_element_type3A_45, %dot_general3A_47, %dot_general3A_48 {dimension_numbers = #tpu.dot_dimension_numbers<[1], [1], [0], [0], [0, 0, 1, 0], [], []>, precision = #tpu.contract_precision<fp32>, transpose_lhs_hint = false} : vector<256x256xf32>, vector<9x256xf32>, vector<256x9xf32> -> vector<256x9xf32>
    %dot_general3A_50 = arith.constant dense<0.000000e+00> : vector<256x9xf32>
    %dot_general3A_51 = tpu.matmul %convert_element_type3A_45, %dot_general3A_32, %dot_general3A_50 {dimension_numbers = #tpu.dot_dimension_numbers<[1], [1], [0], [0], [0, 0, 1, 0], [], []>, precision = #tpu.contract_precision<fp32>, transpose_lhs_hint = false} : vector<256x256xf32>, vector<9x256xf32>, vector<256x9xf32> -> vector<256x9xf32>
    %iota3A_52 = tpu.iota {dimensions = array<i32: 0>} : vector<256x1xi32>
    %convert_element_type3A_53 = arith.sitofp %iota3A_52 : vector<256x1xi32> to vector<256x1xf32>
    %broadcast_in_dim3A_54 = arith.constant 0.000000e+00 : f32
    %broadcast_in_dim3A_55 = vector.broadcast %broadcast_in_dim3A_54 : f32 to vector<1x1xf32>
    %slice3A = vector.extract_strided_slice %dot_general3A_49 {offsets = [0, 0], sizes = [256, 1], strides = [1, 1]} : vector<256x9xf32> to vector<256x1xf32>
    %slice3A_56 = vector.extract_strided_slice %dot_general3A_47 {offsets = [2, 0], sizes = [1, 256], strides = [1, 1]} : vector<9x256xf32> to vector<1x256xf32>
    %slice3A_57 = vector.extract_strided_slice %dot_general3A_49 {offsets = [0, 2], sizes = [1, 1], strides = [1, 1]} : vector<256x9xf32> to vector<1x1xf32>
    %slice3A_58 = vector.extract_strided_slice %dot_general3A_49 {offsets = [255, 2], sizes = [1, 1], strides = [1, 1]} : vector<256x9xf32> to vector<1x1xf32>
    %lt3A = vector.broadcast %slice3A_56 : vector<1x256xf32> to vector<256x256xf32>
    %lt3A_59 = vector.broadcast %slice3A : vector<256x1xf32> to vector<256x256xf32>
    %lt3A_60 = arith.cmpf olt, %lt3A, %lt3A_59 : vector<256x256xf32>
    %convert_element_type3A_61 = arith.extui %lt3A_60 : vector<256x256xi1> to vector<256x256xi32>
    %convert_element_type3A_62 = arith.sitofp %convert_element_type3A_61 : vector<256x256xi32> to vector<256x256xf32>
    %reduce_sum3A_63 = arith.constant dense<0.000000e+00> : vector<256xf32>
    %reduce_sum3A_64 = vector.multi_reduction <add>, %convert_element_type3A_62, %reduce_sum3A_63 [1] : vector<256x256xf32> to vector<256xf32>
    %broadcast_in_dim3A_65 = vector.shape_cast %reduce_sum3A_64 : vector<256xf32> to vector<256x1xf32>
    %lt3A_66 = vector.broadcast %slice3A_57 : vector<1x1xf32> to vector<256x1xf32>
    %lt3A_67 = arith.cmpf olt, %lt3A_66, %slice3A : vector<256x1xf32>
    %convert_element_type3A_68 = arith.extui %lt3A_67 : vector<256x1xi1> to vector<256x1xi32>
    %convert_element_type3A_69 = arith.sitofp %convert_element_type3A_68 : vector<256x1xi32> to vector<256x1xf32>
    %sub3A_70 = arith.subf %broadcast_in_dim3A_65, %convert_element_type3A_69 : vector<256x1xf32>
    %ge3A = vector.broadcast %slice3A_57 : vector<1x1xf32> to vector<256x1xf32>
    %ge3A_71 = arith.cmpf oge, %slice3A, %ge3A : vector<256x1xf32>
    %le3A_72 = vector.broadcast %slice3A_58 : vector<1x1xf32> to vector<256x1xf32>
    %le3A_73 = arith.cmpf ole, %slice3A, %le3A_72 : vector<256x1xf32>
    %and3A_74 = arith.andi %ge3A_71, %le3A_73 : vector<256x1xi1>
    %add3A = arith.constant 1.000000e+00 : f32
    %add3A_75 = vector.broadcast %add3A : f32 to vector<256x1xf32>
    %add3A_76 = arith.addf %add3A_75, %sub3A_70 : vector<256x1xf32>
    %select_n3A_77 = arith.select %and3A_74, %add3A_76, %convert_element_type3A_53 : vector<256x1xi1>, vector<256x1xf32>
    %eq3A_78 = arith.constant 255 : i32
    %eq3A_79 = vector.broadcast %eq3A_78 : i32 to vector<256x1xi32>
    %eq3A_80 = arith.cmpi eq, %iota3A_52, %eq3A_79 : vector<256x1xi32>
    %jit3A_81 = arith.constant 2.550000e+02 : f32
    %broadcast_in_dim3A_82 = vector.broadcast %jit3A_81 : f32 to vector<256x1xf32>
    %select_n3A_83 = arith.select %eq3A_80, %broadcast_in_dim3A_82, %select_n3A_77 : vector<256x1xi1>, vector<256x1xf32>
    %slice3A_84 = vector.extract_strided_slice %dot_general3A_51 {offsets = [0, 0], sizes = [256, 1], strides = [1, 1]} : vector<256x9xf32> to vector<256x1xf32>
    %slice3A_85 = vector.extract_strided_slice %dot_general3A_51 {offsets = [0, 1], sizes = [256, 1], strides = [1, 1]} : vector<256x9xf32> to vector<256x1xf32>
    %mul3A_86 = arith.mulf %slice3A_84, %select_n3A_83 : vector<256x1xf32>
    %sub3A_87 = arith.subf %slice3A_85, %mul3A_86 : vector<256x1xf32>
    %abs3A = math.absf %sub3A_87 : vector<256x1xf32>
    %reduce_sum3A_88 = vector.shape_cast %abs3A : vector<256x1xf32> to vector<1x256x1xf32>
    %reduce_sum3A_89 = arith.constant dense<0.000000e+00> : vector<1xf32>
    %reduce_sum3A_90 = vector.multi_reduction <add>, %reduce_sum3A_88, %reduce_sum3A_89 [1, 2] : vector<1x256x1xf32> to vector<1xf32>
    %reduce_sum3A_91 = vector.shape_cast %reduce_sum3A_90 : vector<1xf32> to vector<1x1x1xf32>
    %reduce_sum3A_92 = vector.extract %reduce_sum3A_91[0, 0, 0] : f32 from vector<1x1x1xf32>
    %broadcast_in_dim3A_93 = vector.broadcast %reduce_sum3A_92 : f32 to vector<1x1xf32>
    %add3A_94 = arith.addf %broadcast_in_dim3A_55, %broadcast_in_dim3A_93 : vector<1x1xf32>
    %slice3A_95 = vector.extract_strided_slice %dot_general3A_49 {offsets = [0, 3], sizes = [256, 1], strides = [1, 1]} : vector<256x9xf32> to vector<256x1xf32>
    %slice3A_96 = vector.extract_strided_slice %dot_general3A_47 {offsets = [5, 0], sizes = [1, 256], strides = [1, 1]} : vector<9x256xf32> to vector<1x256xf32>
    %slice3A_97 = vector.extract_strided_slice %dot_general3A_49 {offsets = [0, 5], sizes = [1, 1], strides = [1, 1]} : vector<256x9xf32> to vector<1x1xf32>
    %slice3A_98 = vector.extract_strided_slice %dot_general3A_49 {offsets = [255, 5], sizes = [1, 1], strides = [1, 1]} : vector<256x9xf32> to vector<1x1xf32>
    %lt3A_99 = vector.broadcast %slice3A_96 : vector<1x256xf32> to vector<256x256xf32>
    %lt3A_100 = vector.broadcast %slice3A_95 : vector<256x1xf32> to vector<256x256xf32>
    %lt3A_101 = arith.cmpf olt, %lt3A_99, %lt3A_100 : vector<256x256xf32>
    %convert_element_type3A_102 = arith.extui %lt3A_101 : vector<256x256xi1> to vector<256x256xi32>
    %convert_element_type3A_103 = arith.sitofp %convert_element_type3A_102 : vector<256x256xi32> to vector<256x256xf32>
    %reduce_sum3A_104 = arith.constant dense<0.000000e+00> : vector<256xf32>
    %reduce_sum3A_105 = vector.multi_reduction <add>, %convert_element_type3A_103, %reduce_sum3A_104 [1] : vector<256x256xf32> to vector<256xf32>
    %broadcast_in_dim3A_106 = vector.shape_cast %reduce_sum3A_105 : vector<256xf32> to vector<256x1xf32>
    %lt3A_107 = vector.broadcast %slice3A_97 : vector<1x1xf32> to vector<256x1xf32>
    %lt3A_108 = arith.cmpf olt, %lt3A_107, %slice3A_95 : vector<256x1xf32>
    %convert_element_type3A_109 = arith.extui %lt3A_108 : vector<256x1xi1> to vector<256x1xi32>
    %convert_element_type3A_110 = arith.sitofp %convert_element_type3A_109 : vector<256x1xi32> to vector<256x1xf32>
    %sub3A_111 = arith.subf %broadcast_in_dim3A_106, %convert_element_type3A_110 : vector<256x1xf32>
    %ge3A_112 = vector.broadcast %slice3A_97 : vector<1x1xf32> to vector<256x1xf32>
    %ge3A_113 = arith.cmpf oge, %slice3A_95, %ge3A_112 : vector<256x1xf32>
    %le3A_114 = vector.broadcast %slice3A_98 : vector<1x1xf32> to vector<256x1xf32>
    %le3A_115 = arith.cmpf ole, %slice3A_95, %le3A_114 : vector<256x1xf32>
    %and3A_116 = arith.andi %ge3A_113, %le3A_115 : vector<256x1xi1>
    %add3A_117 = arith.constant 1.000000e+00 : f32
    %add3A_118 = vector.broadcast %add3A_117 : f32 to vector<256x1xf32>
    %add3A_119 = arith.addf %add3A_118, %sub3A_111 : vector<256x1xf32>
    %select_n3A_120 = arith.select %and3A_116, %add3A_119, %convert_element_type3A_53 : vector<256x1xi1>, vector<256x1xf32>
    %eq3A_121 = arith.constant 255 : i32
    %eq3A_122 = vector.broadcast %eq3A_121 : i32 to vector<256x1xi32>
    %eq3A_123 = arith.cmpi eq, %iota3A_52, %eq3A_122 : vector<256x1xi32>
    %jit3A_124 = arith.constant 2.550000e+02 : f32
    %broadcast_in_dim3A_125 = vector.broadcast %jit3A_124 : f32 to vector<256x1xf32>
    %select_n3A_126 = arith.select %eq3A_123, %broadcast_in_dim3A_125, %select_n3A_120 : vector<256x1xi1>, vector<256x1xf32>
    %slice3A_127 = vector.extract_strided_slice %dot_general3A_51 {offsets = [0, 3], sizes = [256, 1], strides = [1, 1]} : vector<256x9xf32> to vector<256x1xf32>
    %slice3A_128 = vector.extract_strided_slice %dot_general3A_51 {offsets = [0, 4], sizes = [256, 1], strides = [1, 1]} : vector<256x9xf32> to vector<256x1xf32>
    %mul3A_129 = arith.mulf %slice3A_127, %select_n3A_126 : vector<256x1xf32>
    %sub3A_130 = arith.subf %slice3A_128, %mul3A_129 : vector<256x1xf32>
    %abs3A_131 = math.absf %sub3A_130 : vector<256x1xf32>
    %reduce_sum3A_132 = vector.shape_cast %abs3A_131 : vector<256x1xf32> to vector<1x256x1xf32>
    %reduce_sum3A_133 = arith.constant dense<0.000000e+00> : vector<1xf32>
    %reduce_sum3A_134 = vector.multi_reduction <add>, %reduce_sum3A_132, %reduce_sum3A_133 [1, 2] : vector<1x256x1xf32> to vector<1xf32>
    %reduce_sum3A_135 = vector.shape_cast %reduce_sum3A_134 : vector<1xf32> to vector<1x1x1xf32>
    %reduce_sum3A_136 = vector.extract %reduce_sum3A_135[0, 0, 0] : f32 from vector<1x1x1xf32>
    %broadcast_in_dim3A_137 = vector.broadcast %reduce_sum3A_136 : f32 to vector<1x1xf32>
    %add3A_138 = arith.addf %add3A_94, %broadcast_in_dim3A_137 : vector<1x1xf32>
    %slice3A_139 = vector.extract_strided_slice %dot_general3A_49 {offsets = [0, 6], sizes = [256, 1], strides = [1, 1]} : vector<256x9xf32> to vector<256x1xf32>
    %slice3A_140 = vector.extract_strided_slice %dot_general3A_47 {offsets = [8, 0], sizes = [1, 256], strides = [1, 1]} : vector<9x256xf32> to vector<1x256xf32>
    %slice3A_141 = vector.extract_strided_slice %dot_general3A_49 {offsets = [0, 8], sizes = [1, 1], strides = [1, 1]} : vector<256x9xf32> to vector<1x1xf32>
    %slice3A_142 = vector.extract_strided_slice %dot_general3A_49 {offsets = [255, 8], sizes = [1, 1], strides = [1, 1]} : vector<256x9xf32> to vector<1x1xf32>
    %lt3A_143 = vector.broadcast %slice3A_140 : vector<1x256xf32> to vector<256x256xf32>
    %lt3A_144 = vector.broadcast %slice3A_139 : vector<256x1xf32> to vector<256x256xf32>
    %lt3A_145 = arith.cmpf olt, %lt3A_143, %lt3A_144 : vector<256x256xf32>
    %convert_element_type3A_146 = arith.extui %lt3A_145 : vector<256x256xi1> to vector<256x256xi32>
    %convert_element_type3A_147 = arith.sitofp %convert_element_type3A_146 : vector<256x256xi32> to vector<256x256xf32>
    %reduce_sum3A_148 = arith.constant dense<0.000000e+00> : vector<256xf32>
    %reduce_sum3A_149 = vector.multi_reduction <add>, %convert_element_type3A_147, %reduce_sum3A_148 [1] : vector<256x256xf32> to vector<256xf32>
    %broadcast_in_dim3A_150 = vector.shape_cast %reduce_sum3A_149 : vector<256xf32> to vector<256x1xf32>
    %lt3A_151 = vector.broadcast %slice3A_141 : vector<1x1xf32> to vector<256x1xf32>
    %lt3A_152 = arith.cmpf olt, %lt3A_151, %slice3A_139 : vector<256x1xf32>
    %convert_element_type3A_153 = arith.extui %lt3A_152 : vector<256x1xi1> to vector<256x1xi32>
    %convert_element_type3A_154 = arith.sitofp %convert_element_type3A_153 : vector<256x1xi32> to vector<256x1xf32>
    %sub3A_155 = arith.subf %broadcast_in_dim3A_150, %convert_element_type3A_154 : vector<256x1xf32>
    %ge3A_156 = vector.broadcast %slice3A_141 : vector<1x1xf32> to vector<256x1xf32>
    %ge3A_157 = arith.cmpf oge, %slice3A_139, %ge3A_156 : vector<256x1xf32>
    %le3A_158 = vector.broadcast %slice3A_142 : vector<1x1xf32> to vector<256x1xf32>
    %le3A_159 = arith.cmpf ole, %slice3A_139, %le3A_158 : vector<256x1xf32>
    %and3A_160 = arith.andi %ge3A_157, %le3A_159 : vector<256x1xi1>
    %add3A_161 = arith.constant 1.000000e+00 : f32
    %add3A_162 = vector.broadcast %add3A_161 : f32 to vector<256x1xf32>
    %add3A_163 = arith.addf %add3A_162, %sub3A_155 : vector<256x1xf32>
    %select_n3A_164 = arith.select %and3A_160, %add3A_163, %convert_element_type3A_53 : vector<256x1xi1>, vector<256x1xf32>
    %eq3A_165 = arith.constant 255 : i32
    %eq3A_166 = vector.broadcast %eq3A_165 : i32 to vector<256x1xi32>
    %eq3A_167 = arith.cmpi eq, %iota3A_52, %eq3A_166 : vector<256x1xi32>
    %jit3A_168 = arith.constant 2.550000e+02 : f32
    %broadcast_in_dim3A_169 = vector.broadcast %jit3A_168 : f32 to vector<256x1xf32>
    %select_n3A_170 = arith.select %eq3A_167, %broadcast_in_dim3A_169, %select_n3A_164 : vector<256x1xi1>, vector<256x1xf32>
    %slice3A_171 = vector.extract_strided_slice %dot_general3A_51 {offsets = [0, 6], sizes = [256, 1], strides = [1, 1]} : vector<256x9xf32> to vector<256x1xf32>
    %slice3A_172 = vector.extract_strided_slice %dot_general3A_51 {offsets = [0, 7], sizes = [256, 1], strides = [1, 1]} : vector<256x9xf32> to vector<256x1xf32>
    %mul3A_173 = arith.mulf %slice3A_171, %select_n3A_170 : vector<256x1xf32>
    %sub3A_174 = arith.subf %slice3A_172, %mul3A_173 : vector<256x1xf32>
    %abs3A_175 = math.absf %sub3A_174 : vector<256x1xf32>
    %reduce_sum3A_176 = vector.shape_cast %abs3A_175 : vector<256x1xf32> to vector<1x256x1xf32>
    %reduce_sum3A_177 = arith.constant dense<0.000000e+00> : vector<1xf32>
    %reduce_sum3A_178 = vector.multi_reduction <add>, %reduce_sum3A_176, %reduce_sum3A_177 [1, 2] : vector<1x256x1xf32> to vector<1xf32>
    %reduce_sum3A_179 = vector.shape_cast %reduce_sum3A_178 : vector<1xf32> to vector<1x1x1xf32>
    %reduce_sum3A_180 = vector.extract %reduce_sum3A_179[0, 0, 0] : f32 from vector<1x1x1xf32>
    %broadcast_in_dim3A_181 = vector.broadcast %reduce_sum3A_180 : f32 to vector<1x1xf32>
    %add3A_182 = arith.addf %add3A_138, %broadcast_in_dim3A_181 : vector<1x1xf32>
    %mul3A_183 = arith.constant 1.27156579E-6 : f32
    %mul3A_184 = vector.broadcast %mul3A_183 : f32 to vector<1x1xf32>
    %mul3A_185 = arith.mulf %add3A_182, %mul3A_184 : vector<1x1xf32>
    %swap3A = arith.constant 0 : index
    %swap3A_186 = arith.constant 0 : index
    %swap3A_187 = vector.load %arg1[%swap3A, %swap3A_186] : memref<1x1xf32, #tpu.memory_space<vmem>>, vector<1x1xf32>
    tpu.vector_store %arg1[%swap3A, %swap3A_186], %mul3A_185 {strides = array<i32>} : memref<1x1xf32, #tpu.memory_space<vmem>>, vector<1x1xf32>,
    return
  }
}

</mosaic_0001>

<sc_bundles>
// kernel: kernel.4.cloned.1.call-start
scs
__scs_entry_jumppad:
0x0: {  	(pc) =	sbr.rel $0x88, $3  }
0x1: {  	(tag) =	ssettag $0x0;
	lr =	simm.s32 $0x1  }
0x2: {  	[smem:$0x3F9D] =	sst lr;
	_ =	strace $0xD0000000  }
0x3: {  	_ = 	snop  }
0x4: {  	_ = 	snop  }
0x5: {  	_ = 	snop  }
0x6: {  	_ = 	snop  }
0x7: {  	_ = 	snop  }
__scs_overlays_trampoline_lowered:
0x8: {  	[smem:$0x3FAC] =	sst s0  }
0x9: {  	[smem:$0x3FAD] =	sst s1  }
0xa: {  	[smem:$0x3FAE] =	sst s2  }
0xb: {  	[smem:$0x3FAF] =	sst s3  }
0xc: {  	[smem:$0x3FB0] =	sst s4  }
0xd: {  	[smem:$0x3FB1] =	sst s5  }
0xe: {  	[smem:$0x3FB2] =	sst s6  }
0xf: {  	[smem:$0x3FB3] =	sst s7  }
0x10: {  	[smem:$0x3FB4] =	sst s8  }
0x11: {  	[smem:$0x3FB5] =	sst s9;
	s0 =	simm.s32 @!p0 $0x0  }
0x12: {  	s1 =	sld [smem:$0x3F9B];
	s0 =	simm.s32 @p0 $0x1  }
0x13: {  	[smem:$0x3FB6] =	sst s0;
	s0 =	simm.s32 @!p1 $0x0  }
0x14: {  	s2 =	sld [smem:$0x3F9A];
	s0 =	simm.s32 @p1 $0x1  }
0x15: {  	[smem:$0x3FB7] =	sst s0;
	s0 =	simm.s32 @!p2 $0x0  }
0x16: {  	s3 =	sld [smem:$0x3FDB];
	s0 =	simm.s32 @p2 $0x1  }
0x17: {  	s4 =	simm.s32 $0x1BF5;
	[smem:$0x3FB9] =	sst s0  }
0x18: {  	s0 =	sld [smem:$0x3F9C];
	_ =	swait.ge [sflag:s4], $0x0  }
0x19: {  	s7 =	sld [smem:$0x3F9D]  }
0x1a: {  	s8 =	sadd.s32 $0xFFFFE003, lr  }
0x1b: {  	s9 =	sadd.s32 $0xFFFFFEF7, lr;
	s5 =	simm.s32 $0xFFFFFFFF;
	p2 =	slt.u32 s8, $0xFFFFF086  }
0x1c: {  	p1 =	slt.u32 s9, $0xF7A;
	s5 =	simm.s32 @!p2 $0x0  }
0x1d: {  	s5 =	simm.s32 @p1 $0x1;
	p0 =	seq.s32 s7, s2  }
0x1e: {  	s7 =	smul.u32 @!p0 $0xF7A, s2;
	p2 =	seq.s32 @!p0 s5, $0x0  }
0x1f: {  	s9 =	smul.u32 $0xF7A, s1;
	s8 =	simm.s32 @!p0 $0x1BF5;
	p2 =	por !p2, p0  }
0x20: {  	[sflag:s8] =	ssyncset.s32 @!p0 $0xFFFFF086;
	s6 =	sadd.s32 @!p0 s3, s7;
	s7 =	simm.s32 @!p0 $0x108  }
0x21: {  	s3 =	sadd.s32 s3, s9;
	s6 =	sadd.s32 @!p0 $0x88, s6;
	s7 =	simm.s32 @p2 $0x1082  }
0x22: {  	[simem:s7], [sflag:s8] =	dma.local @!p0 [hbm:s6], $0xF7A  }
0x23: {  	s9 =	sor.u32 $0xD0000000, s2;
	s6 =	simm.s32 $0x108;
	_ =	swait.ge @!p0 [sflag:s8], $0x0  }
0x24: {  	s3 =	sadd.s32 $0x88, s3;
	s6 =	simm.s32 @!p1 $0x1082;
	[sflag:s4] =	ssyncset.s32 $0xFFFFF086  }
0x25: {  	[simem:s6], [sflag:s4] =	dma.local [hbm:s3], $0xF7A  }
0x26: {  	[smem:$0x3F9D] =	sst s1;
	(tag) =	ssettag s2;
	_ =	strace s9  }
0x27: {  	s1 =	sld [smem:$0x3FAD]  }
0x28: {  	s2 =	sld [smem:$0x3FAE]  }
0x29: {  	s4 =	sld [smem:$0x3FB0]  }
0x2a: {  	p0 =	seq.s32 s5, $0x0;
	s5 =	sld [smem:$0x3FB1]  }
0x2b: {  	s6 =	sld [smem:$0x3FB2]  }
0x2c: {  	s7 =	sld [smem:$0x3FB3]  }
0x2d: {  	s3 =	simm.s32 $0x108;
	s8 =	sld [smem:$0x3FB4]  }
0x2e: {  	s3 =	simm.s32 @!p0 $0x1082;
	s9 =	sld [smem:$0x3FB5]  }
0x2f: {  	lr =	sadd.s32 s0, s3;
	s0 =	sld [smem:$0x3FAC]  }
0x30: {  	s3 =	sld [smem:$0x3FAF]  }
0x31: {  	[smem:$0x3FB8] =	sst s10  }
0x32: {  	s10 =	sld [smem:$0x3FB6];
	_ =	sdelay $0x3  }
0x33: {  	p0 =	seq.s32 s10, $0x1;
	s10 =	sld [smem:$0x3FB8];
	_ =	sdelay $0x3  }
0x34: {  	[smem:$0x3FB8] =	sst s10  }
0x35: {  	s10 =	sld [smem:$0x3FB7];
	_ =	sdelay $0x3  }
0x36: {  	p1 =	seq.s32 s10, $0x1;
	s10 =	sld [smem:$0x3FB8];
	_ =	sdelay $0x3  }
0x37: {  	[smem:$0x3FB8] =	sst s10  }
0x38: {  	s10 =	sld [smem:$0x3FB9]  }
0x39: {  	_ = 	snop;
	(pc) =	sbr.ind lr, $3  }
0x3a: {  	_ = 	snop  }
0x3b: {  	_ = 	snop  }
0x3c: {  	p2 =	seq.s32 s10, $0x1;
	s10 =	sld [smem:$0x3FB8]  }
0x3d: {  	_ =	shalt  }
0x3e: {  	_ =	shalt  }
0x3f: {  	_ =	shalt  }
0x40: {  	_ =	shalt  }
0x41: {  	_ =	shalt  }
0x42: {  	_ =	shalt  }
0x43: {  	_ =	shalt  }
0x44: {  	_ =	shalt  }
0x45: {  	_ =	shalt  }
0x46: {  	_ =	shalt  }
0x47: {  	_ =	shalt  }
0x48: {  	_ =	shalt  }
0x49: {  	_ =	shalt  }
0x4a: {  	_ =	shalt  }
0x4b: {  	_ =	shalt  }
0x4c: {  	_ =	shalt  }
0x4d: {  	_ =	shalt  }
0x4e: {  	_ =	shalt  }
0x4f: {  	_ =	shalt  }
0x50: {  	_ =	shalt  }
0x51: {  	_ =	shalt  }
0x52: {  	_ =	shalt  }
0x53: {  	_ =	shalt  }
0x54: {  	_ =	shalt  }
0x55: {  	_ =	shalt  }
0x56: {  	_ =	shalt  }
0x57: {  	_ =	shalt  }
0x58: {  	_ =	shalt  }
0x59: {  	_ =	shalt  }
0x5a: {  	_ =	shalt  }
0x5b: {  	_ =	shalt  }
0x5c: {  	_ =	shalt  }
0x5d: {  	_ =	shalt  }
0x5e: {  	_ =	shalt  }
0x5f: {  	_ =	shalt  }
0x60: {  	_ =	shalt  }
0x61: {  	_ =	shalt  }
0x62: {  	_ =	shalt  }
0x63: {  	_ =	shalt  }
0x64: {  	_ =	shalt  }
0x65: {  	_ =	shalt  }
0x66: {  	_ =	shalt  }
0x67: {  	_ =	shalt  }
0x68: {  	_ =	shalt  }
0x69: {  	_ =	shalt  }
0x6a: {  	_ =	shalt  }
0x6b: {  	_ =	shalt  }
0x6c: {  	_ =	shalt  }
0x6d: {  	_ =	shalt  }
0x6e: {  	_ =	shalt  }
0x6f: {  	_ =	shalt  }
0x70: {  	_ =	shalt  }
0x71: {  	_ =	shalt  }
0x72: {  	_ =	shalt  }
0x73: {  	_ =	shalt  }
0x74: {  	_ =	shalt  }
0x75: {  	_ =	shalt  }
0x76: {  	_ =	shalt  }
0x77: {  	_ =	shalt  }
0x78: {  	_ =	shalt  }
0x79: {  	_ =	shalt  }
0x7a: {  	_ =	shalt  }
0x7b: {  	_ =	shalt  }
0x7c: {  	_ =	shalt  }
0x7d: {  	_ =	shalt  }
0x7e: {  	_ =	shalt  }
0x7f: {  	_ =	shalt  }
0x80: {  	_ =	shalt  }
0x81: {  	_ =	shalt  }
0x82: {  	_ =	shalt  }
0x83: {  	_ =	shalt  }
0x84: {  	_ =	shalt  }
0x85: {  	_ =	shalt  }
0x86: {  	_ =	shalt  }
0x87: {  	_ =	shalt  }
.Lfunc_end0:
.L_simem_size_0:
called_computation_lowered:
.L_overlay_start_0:
0x88: {  	s2 =	sld [smem:$0x3FD9]  }
0x89: {  	s3 =	sld [smem:$0x3FFE];
	_ =	sdelay $0x1  }
0x8a: {  	s1 =	srdreg.scid  }
0x8b: {  	s0 =	sand.u32 $0x1, s1  }
0x8c: {  	s16 =	sshll.u32 s0, $0xA;
	s2 =	sadd.s32 s3, s2  }
0x8d: {  	s2 =	sadd.s32 s2, s16  }
0x8e: {  	[smem:$0x3FC4] =	sst s2  }
0x8f: {  	_ = 	snop  }
0x90: {  	(tm) =	ssettm $0x1  }
0x91: {  	s17 =	sld [smem:$0x3FFB];
	_ =	sdelay $0x3  }
0x92: {  	_ =	strace s17  }
0x93: {  	s2 =	sld [smem:$0x3FFC];
	_ =	sdelay $0x3  }
0x94: {  	_ =	strace s2  }
0x95: {  	s2 =	sld [smem:$0x3FFD];
	_ =	sdelay $0x3  }
0x96: {  	_ =	strace s2  }
0x97: {  	_ =	strace $0x8FFFFFFF  }
0x98: {  	s18 =	sld [smem:$0x3FDB];
	_ =	sdelay $0x1  }
0x99: {  	s19 =	simm.s32 $_scs_section_size  }
0x9a: {  	s4 =	simm.s32 $_size__tile_overlayer_lowered;
	s5 =	simm.s32 $_tile_overlayer_lowered  }
0x9b: {  	s22 =	simm.s32 $0x1BFF;
	s21 =	sshll.u32 s5, $0x1;
	s2 =	sadd.s32 s19, s18  }
0x9c: {  	s6 =	simm.s32 $0x0;
	s20 =	sshll.u32 s4, $0x1;
	s4 =	sadd.s32 s21, s2  }
0x9d: {  	[timem:s6], [sflag:s22] =	dma.local [hbm:s4], s20  }
0x9e: {  	_ =	swait.ge [sflag:s22], s20  }
0x9f: {  	s3 =	ssub.s32 $0x0, s20;
	[sflag:s22] =	ssyncset.done $0x0  }
0xa0: {  	[sflag:s22] =	ssyncadd.s32 s3;
	_ =	sdelay $0x1  }
0xa1: {  	s23 =	simm.s32 $0x1B8B  }
0xa2: {  	_ =	swait.ge [sflag:s23], $0x1  }
0xa3: {  	[sflag:s23] =	ssyncset.done $0x0  }
0xa4: {  	s25 =	simm.s32 $0x1B8E;
	s24 =	sld [smem:$0x3FFE];
	[sflag:s23] =	ssyncadd.s32 $0xFFFFFFFF  }
0xa5: {  	s26 =	simm.s32 $execute0_lowered;
	[smem:$0x3FD2] =	sst s25  }
0xa6: {  	s4 =	sshll.u32 s26, $0x1;
	_ =	strace $0x80000046;
	[dreg:$0x1] =	wrdreg $0xFFFFFFFF  }
0xa7: {  	s28 =	simm.s32 $_size_execute0_lowered;
	s2 =	sadd.s32 s2, s4;
	[dreg:$0x0] =	wrdreg $0x0  }
0xa8: {  	s4 =	sshll.u32 s28, $0x1;
	[dreg:$0x2] =	wrdreg s2  }
0xa9: {  	[dreg:$0x3] =	wrdreg s4  }
0xaa: {  	[dreg:$0x4] =	wrdreg $0xC0  }
0xab: {  	_ =	task [dreg:s6], $0x5FFFF  }
0xac: {  	[dreg:$0x1] =	wrdreg $0xFFFFFFFF  }
0xad: {  	[dreg:$0x0] =	wrdreg $0x60  }
0xae: {  	[dreg:$0x2] =	wrdreg s24  }
0xaf: {  	[dreg:$0x3] =	wrdreg $0x9  }
0xb0: {  	_ =	task.clear_ibuf [dreg:s6], $0x4FFFF;
	_ =	strace $0x90000046  }
0xb1: {  	s29 =	simm.s32 $0x9;
	_ =	strace $0x80000048  }
0xb2: {  	_ =	swait.ge [sflag:s29], $0x1  }
0xb3: {  	[sflag:s29] =	ssyncadd.s32 $0xFFFFFFFF  }
0xb4: {  	_ =	strace $0x90000048  }
0xb5: {  	_ =	sfence  }
0xb6: {  	s30 =	sld [smem:$0x0];
	_ =	sdelay $0x2  }
0xb7: {  	s31 =	sshll.u32 s1, $0xD;
	s1 =	sshrl.u32 s1, $0x2  }
0xb8: {  	s3 =	sand.u32 $0x4000, s31;
	s1 =	sadd.s32 s1, s30  }
0xb9: {  	s0 =	sor.u32 s3, s0;
	s1 =	sshll.u32 s1, $0x11  }
0xba: {  	s0 =	sor.u32 s1, s0  }
0xbb: {  	s0 =	sadd.s32 $0x8F2B, s0  }
0xbc: {  	[sflag:s0] =	ssyncadd.remote.s32 $0x1  }
0xbd: {  	_ =	sfence.sel $0xFFFF  }
0xbe: {  	[dreg:$0x0] =	wrdreg $0xFFFFFFFF;
	(pc) =	sbr.abs _section_cstart, $3  }
0xbf: {  	[dreg:$0x1] =	wrdreg $0xFFFFFFFF  }
0xc0: {  	_ =	task.clear_ibuf [dreg:s6], $0x2FFFF;
	_ =	strace $0x9FFFFFFF  }
0xc1: {  	(tm) =	ssettm $0x7FFFFFFF  }
tec
execute0_lowered:
.L_overlay_start_1:
0x0: {  	(tag) =	ssettag $0x1  }
0x1: {  	s3 =	rddreg [dreg:$0x0]  }
0x2: {  	s0 =	rddreg [dreg:$0x1];
	s2 =	simm.s32 $0x0  }
0x3: {  	s4 =	srdreg.scid;
	s1 =	stileid.u32;
	s13 =	simm.s32 $0x80  }
0x4: {  	s14 =	simm.s32 $0x400;
	s15 =	simm.s32 $0x6000;
	s16 =	simm.s32 $0x2000  }
0x5: {  	s17 =	simm.s32 $0x8000;
	s18 =	simm.s32 $0x4000;
	s19 =	simm.s32 $0xA000  }
0x6: {  	s20 =	simm.s32 $0xC000;
	s21 =	simm.s32 $0xE000;
	s22 =	simm.s32 $0x1  }
0x7: {  	s23 =	simm.s32 $0x10000;
	s24 =	simm.s32 $0x2;
	s25 =	simm.s32 $0x0  }
0x8: {  	[smem:$0x7FF] =	sst s2;
	s4 =	sand.u32 $0x1, s4;
	s5 =	sshll.u32 s1, $0x8  }
0x9: {  	s6 =	sshrl.u32 s1, $0x2;
	s29 =	sadd.s32 $0x10800, s3;
	s9 =	sadd.s32 $0x28800, s3  }
0xa: {  	s7 =	sshll.u32 s4, $0x7;
	s5 =	sand.u32 $0x300, s5;
	s8 =	sshll.u32 s6, $0x10  }
0xb: {  	s6 =	smul.u32 $0x48000, s6;
	s4 =	ssub.s32 $0x2, s4;
	s5 =	sor.u32 s7, s5  }
0xc: {  	_ =	strace $0x80000047;
	s30 =	sshrl.u32 s4, $0x1;
	s8 =	sor.u32 s8, s5  }
0xd: {  	v0 =	vlaneseq.u32;
	s5 =	sor.u32 s6, s5;
	s12 =	ssub.s32 s4, s30;
	s8 =	sshrl.u32 s8, $0x3  }
0xe: {  	v0 =	vmul.u32 $0x900, v0;
	s5 =	sshrl.u32 s5, $0x3;
	s12 =	smax.u32 s12, $0x1;
	s10 =	sadd.s32 s8, s3  }
0xf: {  	s11 =	sadd.s32 s5, s3;
	s3 =	sadd.s32 s29, s8;
	s31 =	sor.u32 $0x8000, s8  }
0x10: {  	v1 =	vimm.f32 $0.0e+00;
	v2 =	vadd.s32 $0x100, v0;
	v3 =	vadd.s32 $0x200, v0;
	s4 =	sadd.s32 s9, s8;
	s8 =	sor.u32 $0x10000, s8;
	s5 =	sadd.s32 s29, s31  }
0x11: {  	v4 =	vadd.s32 $0x300, v0;
	v5 =	vadd.s32 $0x400, v0;
	v6 =	vadd.s32 $0x500, v0;
	s6 =	sadd.s32 s9, s31;
	s7 =	sadd.s32 s29, s8;
	s8 =	sadd.s32 s9, s8  }
0x12: {  	v7 =	vadd.s32 $0x600, v0;
	v8 =	vadd.s32 $0x700, v0;
	v9 =	vadd.s32 $0x800, v0;
	s9 =	sadd.s32 $0x800, s10;
	s10 =	sadd.s32 $0x8800, s10;
	s11 =	sadd.s32 $0x40800, s11  }
.LBB2_1:
0x13: {  	[tilespmem:s2], [sflag:$0x1] =	stream.strided.gather [hbm4b:s3+s13], $0x2000, s14, s13, $0x38;
	[tilespmem:$0x19000] =	vst v63  }
0x14: {  	_ = 	snop  }
0x15: {  	[tilespmem:s15], [sflag:$0x1] =	stream.strided.gather [hbm4b:s4+s13], $0x2000, s14, s13, $0x38;
	[tilespmem:$0x19000] =	vst v63  }
0x16: {  	_ = 	snop  }
0x17: {  	[tilespmem:s16], [sflag:$0x1] =	stream.strided.gather [hbm4b:s5+s13], $0x2000, s14, s13, $0x38;
	[tilespmem:$0x19000] =	vst v63  }
0x18: {  	_ = 	snop  }
0x19: {  	[tilespmem:s17], [sflag:$0x1] =	stream.strided.gather [hbm4b:s6+s13], $0x2000, s14, s13, $0x38;
	[tilespmem:$0x19000] =	vst v63  }
0x1a: {  	_ = 	snop  }
0x1b: {  	[tilespmem:s18], [sflag:$0x1] =	stream.strided.gather [hbm4b:s7+s13], $0x2000, s14, s13, $0x38;
	[tilespmem:$0x19000] =	vst v63  }
0x1c: {  	_ = 	snop  }
0x1d: {  	[tilespmem:s19], [sflag:$0x1] =	stream.strided.gather [hbm4b:s8+s13], $0x2000, s14, s13, $0x38;
	[tilespmem:$0x19000] =	vst v63  }
0x1e: {  	_ = 	snop  }
0x1f: {  	[tilespmem:s20], [sflag:$0x1] =	stream.strided.gather [hbm4b:s9+s13], $0x2000, s14, s13, $0x38;
	[tilespmem:$0x19000] =	vst v63  }
0x20: {  	s26 =	simm.s32 $0x0;
	s28 =	simm.s32 $0x400  }
0x21: {  	[tilespmem:s21], [sflag:$0x1] =	stream.strided.gather [hbm4b:s10+s13], $0x2000, s14, s13, $0x38;
	[tilespmem:$0x19000] =	vst v63  }
.LBB2_2:
0x22: {  	p0 =	sne.s32 s28, $0x23C00;
	[tilespmem:s26+$0x100F0] =	vst v1  }
0x23: {  	[tilespmem:s26+$0x10000] =	vst v1  }
0x24: {  	[tilespmem:s26+$0x10010] =	vst v1  }
0x25: {  	[tilespmem:s26+$0x10020] =	vst v1  }
0x26: {  	[tilespmem:s26+$0x10030] =	vst v1  }
0x27: {  	[tilespmem:s26+$0x10040] =	vst v1  }
0x28: {  	[tilespmem:s26+$0x10050] =	vst v1  }
0x29: {  	[tilespmem:s26+$0x10060] =	vst v1  }
0x2a: {  	[tilespmem:s26+$0x10070] =	vst v1  }
0x2b: {  	[tilespmem:s26+$0x10080] =	vst v1  }
0x2c: {  	[tilespmem:s26+$0x10090] =	vst v1  }
.Ltmp0:
0x2d: {  	[tilespmem:s26+$0x100A0] =	vst v1;
	(pc) =	sbr.rel @p0 .LBB2_2-.Ltmp0, $4  }
0x2e: {  	[tilespmem:s26+$0x100B0] =	vst v1  }
0x2f: {  	[tilespmem:s26+$0x100C0] =	vst v1  }
0x30: {  	[tilespmem:s26+$0x100D0] =	vst v1  }
0x31: {  	[tilespmem:s26+$0x100E0] =	vst v1;
	s26 =	sshra.s32 s28, $0x2;
	s28 =	sadd.s32 $0x400, s28  }
0x32: {  	[tilespmem:s26+$0x100F0] =	vst v1  }
0x33: {  	[tilespmem:s26+$0x10000] =	vst v1  }
0x34: {  	[tilespmem:s26+$0x10010] =	vst v1  }
0x35: {  	[tilespmem:s26+$0x10020] =	vst v1  }
0x36: {  	[tilespmem:s26+$0x10030] =	vst v1  }
0x37: {  	[tilespmem:s26+$0x10040] =	vst v1  }
0x38: {  	[tilespmem:s26+$0x10050] =	vst v1  }
0x39: {  	[tilespmem:s26+$0x10060] =	vst v1  }
0x3a: {  	[tilespmem:s26+$0x10070] =	vst v1  }
0x3b: {  	[tilespmem:s26+$0x10080] =	vst v1  }
0x3c: {  	[tilespmem:s26+$0x10090] =	vst v1  }
0x3d: {  	[tilespmem:s26+$0x100A0] =	vst v1  }
0x3e: {  	[tilespmem:s26+$0x100B0] =	vst v1  }
0x3f: {  	[tilespmem:s26+$0x100C0] =	vst v1  }
0x40: {  	[tilespmem:s26+$0x100D0] =	vst v1  }
0x41: {  	[tilespmem:s26+$0x100E0] =	vst v1  }
0x42: {  	_ =	swait.ge [sflag:s22], $0x2000  }
0x43: {  	[sflag:s22] =	ssyncset.done $0x0  }
0x44: {  	[sflag:s22] =	ssyncadd.s32 $0xFFFFE000  }
0x45: {  	_ =	swait.ge [sflag:s22], $0x2000  }
0x46: {  	[sflag:s22] =	ssyncset.done $0x0  }
0x47: {  	[sflag:s22] =	ssyncadd.s32 $0xFFFFE000  }
0x48: {  	_ =	swait.ge [sflag:s22], $0x2000  }
0x49: {  	[sflag:s22] =	ssyncset.done $0x0  }
0x4a: {  	[sflag:s22] =	ssyncadd.s32 $0xFFFFE000  }
0x4b: {  	_ =	swait.ge [sflag:s22], $0x2000  }
0x4c: {  	[sflag:s22] =	ssyncset.done $0x0  }
0x4d: {  	[sflag:s22] =	ssyncadd.s32 $0xFFFFE000  }
0x4e: {  	_ =	swait.ge [sflag:s22], $0x2000  }
0x4f: {  	[sflag:s22] =	ssyncset.done $0x0  }
0x50: {  	[sflag:s22] =	ssyncadd.s32 $0xFFFFE000  }
0x51: {  	_ =	swait.ge [sflag:s22], $0x2000  }
0x52: {  	[sflag:s22] =	ssyncset.done $0x0  }
0x53: {  	[sflag:s22] =	ssyncadd.s32 $0xFFFFE000  }
0x54: {  	_ =	swait.ge [sflag:s22], $0x2000  }
0x55: {  	[sflag:s22] =	ssyncset.done $0x0  }
0x56: {  	[sflag:s22] =	ssyncadd.s32 $0xFFFFE000  }
0x57: {  	_ =	swait.ge [sflag:s22], $0x2000  }
0x58: {  	[sflag:s22] =	ssyncset.done $0x0  }
0x59: {  	s26 =	simm.s32 $0x0;
	[sflag:s22] =	ssyncadd.s32 $0xFFFFE000  }
.LBB2_4:
0x5a: {  	s28 =	sshra.s32 s26, $0x2  }
0x5b: {  	v10 =	vld [tilespmem:s28+$0x0];
	_ =	sdelay $0x4  }
0x5c: {  	v10 =	vadd.f32 $1.000000000e+00, v10;
	_ =	sdelay $0x1  }
0x5d: {  	v10 =	vmul.f32 $5.000000000e-01, v10;
	_ =	sdelay $0x1  }
0x5e: {  	v10 =	vmax.f32 v10, $0.0e+00  }
0x5f: {  	v10 =	vmin.f32 v10, $1.000000000e+00  }
0x60: {  	v10 =	vmul.f32 $2.550000000e+02, v10;
	_ =	sdelay $0x1  }
0x61: {  	v11 =	vtrunc.f32 v10  }
0x62: {  	v11 =	vcvt.f32.s32 v11  }
0x63: {  	v12 =	vld [tilespmem:s28+$0xC000]  }
0x64: {  	v13 =	vadd.s32 v0, v11  }
0x65: {  	v11 =	vadd.s32 v2, v11;
	_ =	sdelay $0x2  }
0x66: {  	v14 =	vld [tilespmem:s28+$0xE000];
	v10 =	vmul.f32 v10, v12  }
0x67: {  	[tilespmem:v13+s23+$0x0] =	vst.idx.add.f32.msk $0xffff, v12  }
0x68: {  	[tilespmem:v11+s23+$0x0] =	vst.idx.add.f32.msk $0xffff, v10  }
0x69: {  	v10 =	vld [tilespmem:s28+$0x6000];
	_ =	sdelay $0x4  }
0x6a: {  	v10 =	vadd.f32 $1.000000000e+00, v10;
	_ =	sdelay $0x1  }
0x6b: {  	v10 =	vmul.f32 $5.000000000e-01, v10;
	_ =	sdelay $0x1  }
0x6c: {  	v10 =	vmax.f32 v10, $0.0e+00  }
0x6d: {  	v10 =	vmin.f32 v10, $1.000000000e+00  }
0x6e: {  	v10 =	vmul.f32 $2.550000000e+02, v10;
	_ =	sdelay $0x1  }
0x6f: {  	v10 =	vtrunc.f32 v10  }
0x70: {  	v10 =	vcvt.f32.s32 v10;
	_ =	sdelay $0x1  }
0x71: {  	v10 =	vadd.s32 v3, v10;
	_ =	sdelay $0x4  }
0x72: {  	[tilespmem:v10+s23+$0x0] =	vst.idx.add.f32.msk $0xffff, v14  }
0x73: {  	v10 =	vld [tilespmem:s28+$0x2000];
	_ =	sdelay $0x4  }
0x74: {  	v10 =	vadd.f32 $1.000000000e+00, v10;
	_ =	sdelay $0x1  }
0x75: {  	v10 =	vmul.f32 $5.000000000e-01, v10;
	_ =	sdelay $0x1  }
0x76: {  	v10 =	vmax.f32 v10, $0.0e+00  }
0x77: {  	v10 =	vmin.f32 v10, $1.000000000e+00  }
0x78: {  	v10 =	vmul.f32 $2.550000000e+02, v10;
	_ =	sdelay $0x1  }
0x79: {  	v11 =	vtrunc.f32 v10  }
0x7a: {  	v11 =	vcvt.f32.s32 v11;
	_ =	sdelay $0x1  }
0x7b: {  	v59 =	vadd.s32 v4, v11  }
0x7c: {  	v11 =	vadd.s32 v5, v11;
	_ =	sdelay $0x2  }
0x7d: {  	v10 =	vmul.f32 v10, v12  }
0x7e: {  	[tilespmem:v59+s23+$0x0] =	vst.idx.add.f32.msk $0xffff, v12  }
0x7f: {  	[tilespmem:v11+s23+$0x0] =	vst.idx.add.f32.msk $0xffff, v10  }
0x80: {  	v10 =	vld [tilespmem:s28+$0x8000];
	_ =	sdelay $0x4  }
0x81: {  	v10 =	vadd.f32 $1.000000000e+00, v10;
	_ =	sdelay $0x1  }
0x82: {  	v10 =	vmul.f32 $5.000000000e-01, v10;
	_ =	sdelay $0x1  }
0x83: {  	v10 =	vmax.f32 v10, $0.0e+00  }
0x84: {  	v10 =	vmin.f32 v10, $1.000000000e+00  }
0x85: {  	v10 =	vmul.f32 $2.550000000e+02, v10;
	_ =	sdelay $0x1  }
0x86: {  	v10 =	vtrunc.f32 v10  }
0x87: {  	v10 =	vcvt.f32.s32 v10;
	_ =	sdelay $0x1  }
0x88: {  	v10 =	vadd.s32 v6, v10;
	_ =	sdelay $0x4  }
0x89: {  	[tilespmem:v10+s23+$0x0] =	vst.idx.add.f32.msk $0xffff, v14  }
0x8a: {  	v10 =	vld [tilespmem:s28+$0x4000];
	_ =	sdelay $0x4  }
0x8b: {  	v10 =	vadd.f32 $1.000000000e+00, v10;
	_ =	sdelay $0x1  }
0x8c: {  	v10 =	vmul.f32 $5.000000000e-01, v10;
	_ =	sdelay $0x1  }
0x8d: {  	v10 =	vmax.f32 v10, $0.0e+00  }
0x8e: {  	v10 =	vmin.f32 v10, $1.000000000e+00  }
0x8f: {  	v10 =	vmul.f32 $2.550000000e+02, v10;
	_ =	sdelay $0x1  }
0x90: {  	v11 =	vtrunc.f32 v10  }
0x91: {  	v11 =	vcvt.f32.s32 v11;
	_ =	sdelay $0x1  }
0x92: {  	v60 =	vadd.s32 v7, v11  }
0x93: {  	v11 =	vadd.s32 v8, v11;
	_ =	sdelay $0x2  }
0x94: {  	v10 =	vmul.f32 v10, v12  }
0x95: {  	[tilespmem:v60+s23+$0x0] =	vst.idx.add.f32.msk $0xffff, v12  }
0x96: {  	[tilespmem:v11+s23+$0x0] =	vst.idx.add.f32.msk $0xffff, v10  }
0x97: {  	v10 =	vld [tilespmem:s28+$0xA000];
	_ =	sdelay $0x4  }
0x98: {  	v10 =	vadd.f32 $1.000000000e+00, v10;
	_ =	sdelay $0x1  }
0x99: {  	v10 =	vmul.f32 $5.000000000e-01, v10;
	_ =	sdelay $0x1  }
0x9a: {  	v10 =	vmax.f32 v10, $0.0e+00  }
0x9b: {  	v10 =	vmin.f32 v10, $1.000000000e+00  }
0x9c: {  	v10 =	vmul.f32 $2.550000000e+02, v10;
	_ =	sdelay $0x1  }
0x9d: {  	v10 =	vtrunc.f32 v10  }
0x9e: {  	v10 =	vcvt.f32.s32 v10;
	_ =	sdelay $0x1  }
0x9f: {  	v10 =	vadd.s32 v9, v10;
	_ =	sdelay $0x4  }
0xa0: {  	[tilespmem:v10+s23+$0x0] =	vst.idx.add.f32.msk $0xffff, v14  }
0xa1: {  	v10 =	vld [tilespmem:s28+$0x10];
	_ =	sdelay $0x4  }
0xa2: {  	v10 =	vadd.f32 $1.000000000e+00, v10;
	_ =	sdelay $0x1  }
0xa3: {  	v10 =	vmul.f32 $5.000000000e-01, v10;
	_ =	sdelay $0x1  }
0xa4: {  	v10 =	vmax.f32 v10, $0.0e+00  }
0xa5: {  	v10 =	vmin.f32 v10, $1.000000000e+00  }
0xa6: {  	v10 =	vmul.f32 $2.550000000e+02, v10;
	_ =	sdelay $0x1  }
0xa7: {  	v11 =	vtrunc.f32 v10  }
0xa8: {  	v11 =	vcvt.f32.s32 v11  }
0xa9: {  	v12 =	vld [tilespmem:s28+$0xC010]  }
0xaa: {  	v61 =	vadd.s32 v0, v11  }
0xab: {  	v11 =	vadd.s32 v2, v11;
	_ =	sdelay $0x2  }
0xac: {  	v14 =	vld [tilespmem:s28+$0xE010];
	v10 =	vmul.f32 v10, v12  }
0xad: {  	[tilespmem:v61+s23+$0x0] =	vst.idx.add.f32.msk $0xffff, v12  }
0xae: {  	[tilespmem:v11+s23+$0x0] =	vst.idx.add.f32.msk $0xffff, v10  }
0xaf: {  	v10 =	vld [tilespmem:s28+$0x6010];
	_ =	sdelay $0x4  }
0xb0: {  	v10 =	vadd.f32 $1.000000000e+00, v10;
	_ =	sdelay $0x1  }
0xb1: {  	v10 =	vmul.f32 $5.000000000e-01, v10;
	_ =	sdelay $0x1  }
0xb2: {  	v10 =	vmax.f32 v10, $0.0e+00  }
0xb3: {  	v10 =	vmin.f32 v10, $1.000000000e+00  }
0xb4: {  	v10 =	vmul.f32 $2.550000000e+02, v10;
	_ =	sdelay $0x1  }
0xb5: {  	v10 =	vtrunc.f32 v10  }
0xb6: {  	v10 =	vcvt.f32.s32 v10;
	_ =	sdelay $0x1  }
0xb7: {  	v10 =	vadd.s32 v3, v10;
	_ =	sdelay $0x4  }
0xb8: {  	[tilespmem:v10+s23+$0x0] =	vst.idx.add.f32.msk $0xffff, v14  }
0xb9: {  	v10 =	vld [tilespmem:s28+$0x2010];
	_ =	sdelay $0x4  }
0xba: {  	v10 =	vadd.f32 $1.000000000e+00, v10;
	_ =	sdelay $0x1  }
0xbb: {  	v10 =	vmul.f32 $5.000000000e-01, v10;
	_ =	sdelay $0x1  }
0xbc: {  	v10 =	vmax.f32 v10, $0.0e+00  }
0xbd: {  	v10 =	vmin.f32 v10, $1.000000000e+00  }
0xbe: {  	v10 =	vmul.f32 $2.550000000e+02, v10;
	_ =	sdelay $0x1  }
0xbf: {  	v11 =	vtrunc.f32 v10  }
0xc0: {  	v11 =	vcvt.f32.s32 v11;
	_ =	sdelay $0x1  }
0xc1: {  	v62 =	vadd.s32 v4, v11  }
0xc2: {  	v11 =	vadd.s32 v5, v11;
	_ =	sdelay $0x2  }
0xc3: {  	v10 =	vmul.f32 v10, v12  }
0xc4: {  	[tilespmem:v62+s23+$0x0] =	vst.idx.add.f32.msk $0xffff, v12  }
0xc5: {  	[tilespmem:v11+s23+$0x0] =	vst.idx.add.f32.msk $0xffff, v10  }
0xc6: {  	v10 =	vld [tilespmem:s28+$0x8010];
	_ =	sdelay $0x4  }
0xc7: {  	v10 =	vadd.f32 $1.000000000e+00, v10;
	_ =	sdelay $0x1  }
0xc8: {  	v10 =	vmul.f32 $5.000000000e-01, v10;
	_ =	sdelay $0x1  }
0xc9: {  	v10 =	vmax.f32 v10, $0.0e+00  }
0xca: {  	v10 =	vmin.f32 v10, $1.000000000e+00  }
0xcb: {  	v10 =	vmul.f32 $2.550000000e+02, v10;
	_ =	sdelay $0x1  }
0xcc: {  	v10 =	vtrunc.f32 v10  }
0xcd: {  	v10 =	vcvt.f32.s32 v10;
	_ =	sdelay $0x1  }
0xce: {  	v10 =	vadd.s32 v6, v10;
	_ =	sdelay $0x4  }
0xcf: {  	[tilespmem:v10+s23+$0x0] =	vst.idx.add.f32.msk $0xffff, v14  }
0xd0: {  	v10 =	vld [tilespmem:s28+$0x4010];
	_ =	sdelay $0x4  }
0xd1: {  	v10 =	vadd.f32 $1.000000000e+00, v10;
	_ =	sdelay $0x1  }
0xd2: {  	v10 =	vmul.f32 $5.000000000e-01, v10;
	_ =	sdelay $0x1  }
0xd3: {  	v10 =	vmax.f32 v10, $0.0e+00  }
0xd4: {  	v10 =	vmin.f32 v10, $1.000000000e+00  }
0xd5: {  	v10 =	vmul.f32 $2.550000000e+02, v10;
	_ =	sdelay $0x1  }
0xd6: {  	v11 =	vtrunc.f32 v10  }
0xd7: {  	v11 =	vcvt.f32.s32 v11;
	_ =	sdelay $0x1  }
0xd8: {  	v63 =	vadd.s32 v7, v11  }
0xd9: {  	v11 =	vadd.s32 v8, v11;
	_ =	sdelay $0x2  }
0xda: {  	v10 =	vmul.f32 v10, v12  }
0xdb: {  	[tilespmem:v63+s23+$0x0] =	vst.idx.add.f32.msk $0xffff, v12  }
0xdc: {  	[tilespmem:v11+s23+$0x0] =	vst.idx.add.f32.msk $0xffff, v10  }
0xdd: {  	v10 =	vld [tilespmem:s28+$0xA010];
	_ =	sdelay $0x4  }
0xde: {  	v10 =	vadd.f32 $1.000000000e+00, v10;
	_ =	sdelay $0x1  }
0xdf: {  	v10 =	vmul.f32 $5.000000000e-01, v10;
	_ =	sdelay $0x1  }
0xe0: {  	v10 =	vmax.f32 v10, $0.0e+00  }
0xe1: {  	v10 =	vmin.f32 v10, $1.000000000e+00  }
0xe2: {  	v10 =	vmul.f32 $2.550000000e+02, v10;
	_ =	sdelay $0x1  }
0xe3: {  	v10 =	vtrunc.f32 v10  }
0xe4: {  	v10 =	vcvt.f32.s32 v10;
	_ =	sdelay $0x1  }
0xe5: {  	p0 =	sne.s32 s26, $0x7F80;
	v10 =	vadd.s32 v9, v10  }
.Ltmp1:
0xe6: {  	_ = 	snop;
	(pc) =	sbr.rel @p0 .LBB2_4-.Ltmp1, $2  }
0xe7: {  	_ =	sdelay $0x2  }
0xe8: {  	s26 =	sadd.s32 $0x80, s26;
	[tilespmem:v10+s23+$0x0] =	vst.idx.add.f32.msk $0xffff, v14  }
0xe9: {  	s25 =	sadd.s32 $0x1, s25  }
0xea: {  	p0 =	sne.s32 s25, s12  }
.Ltmp2:
0xeb: {  	_ = 	snop;
	(pc) =	sbr.rel @p0 .LBB2_1-.Ltmp2, $4  }
0xec: {  	[hbm4b:s11+s13] =	stream.strided.scatter [tilespmem:s23], [sflag:$0x2], $0x9000, s14, s13, $0x38;
	[tilespmem:$0x19000] =	vst v63  }
0xed: {  	_ =	swait.ge [sflag:s24], $0x9000  }
0xee: {  	[sflag:s24] =	ssyncset.done $0x0  }
0xef: {  	[sflag:s24] =	ssyncadd.s32 $0xFFFF7000  }
0xf0: {  	_ =	sfence.sel $0x180000  }
0xf1: {  	[bflag:$0x0] =	sbarrier.arrive $0xFFFF  }
0xf2: {  	p0 =	sne.s32 s1, $0x0;
	_ =	strace $0x90000047  }
0xf3: {  	s0 =	sadd.s32 @!p0 $0x100000, s0;
	[bflag:$0x2] =	sbarrier.arrive $0xFFFF  }
0xf4: {  	[sflag:s0] =	ssyncadd.tile.s32 @!p0 $0x1;
	_ =	shalt  }
.Lfunc_end2:
_tile_overlayer_lowered:
.L_overlay_start_2:
0xf5: {  	(tag) =	ssettag $0x2  }
0xf6: {  	s0 =	rddreg [dreg:$0x0];
	s2 =	stileid.u32  }
0xf7: {  	s1 =	rddreg [dreg:$0x1];
	p0 =	sne.s32 s2, $0x0  }
0xf8: {  	s3 =	rddreg [dreg:$0x2];
	[bflag:$0x3] =	sbarrier.arrive $0xFFFF;
	s2 =	simm.s32 @!p0 $0x1C02  }
0xf9: {  	[timem:s3], [sflag:s2] =	dma.local @!p0 [hbm:s0], s1  }
0xfa: {  	s0 =	simm.s32 @!p0 $0x2  }
0xfb: {  	_ =	swait.ge @!p0 [sflag:s0], s1  }
0xfc: {  	s1 =	ssub.s32 @!p0 $0x0, s1;
	[sflag:s0] =	ssyncset.done @!p0 $0x0  }
0xfd: {  	[sflag:s0] =	ssyncadd.s32 @!p0 s1  }
0xfe: {  	[bflag:$0x3] =	sbarrier.arrive $0xFFFF  }
0xff: {  	_ =	shalt  }

</sc_bundles>
